<compile_context>
chip_gen: v7x
topology: tpu7x:2x2x1
jax: 0.10.2.dev20260603
libtpu: 0.0.44.dev20260713+nightly
codegen_flags: <defaults>
</compile_context>

<pallas_src>
import functools

import numpy as np
import jax
import jax.numpy as jnp
from jax import lax
from jax.experimental import pallas as pl
from jax.experimental.pallas import tpu as pltpu
from jax.experimental.pallas import tpu_sc as plsc

NUM_UNITS = 64
_LANES = 16
_NC = 2
_NS = 16
_NW = _NC * _NS

_R = 400
_G = 400
_PADW = 128


@functools.lru_cache(maxsize=None)
def _pos_enc(length: int, width: int):
    pe = np.array(
        [[pos / np.power(10000, 2 * i / width) for i in range(width)]
         for pos in range(length)],
        dtype=np.float32,
    )
    pe[:, 0::2] = np.sin(pe[:, 0::2])
    pe[:, 1::2] = np.cos(pe[:, 1::2])
    return jnp.asarray(pe)


@functools.lru_cache(maxsize=None)
def _make_kernel(n_rows: int, seq_len: int):
    rows_per_w = n_rows // _NW
    n_chunks = rows_per_w // _R
    half = n_chunks // 2
    reps = _R // seq_len
    n_sub = _R // _G
    n_vec = NUM_UNITS // _LANES
    mesh = plsc.VectorSubcoreMesh(core_axis_name="c", subcore_axis_name="s")

    @functools.partial(
        pl.kernel,
        out_type=jax.ShapeDtypeStruct((n_rows, _PADW), jnp.float32),
        mesh=mesh,
        scratch_types=[
            pltpu.VMEM((_R,), jnp.int32),
            pltpu.VMEM((_R,), jnp.int32),
            pltpu.VMEM((_R, _PADW), jnp.float32),
            pltpu.VMEM((_R, _PADW), jnp.float32),
            pltpu.VMEM((seq_len, NUM_UNITS), jnp.float32),
            pltpu.SemaphoreType.DMA,
            pltpu.SemaphoreType.DMA,
            pltpu.SemaphoreType.DMA,
            pltpu.SemaphoreType.DMA,
        ],
        compiler_params=pltpu.CompilerParams(use_tc_tiling_on_sc=False),
    )
    def k(ids_hbm, table_hbm, pe_hbm, out_hbm,
          idx0, idx1, rows0, rows1, pe_v, sg0, sg1, sw0, sw1):
        wid = lax.axis_index("c") * _NS + lax.axis_index("s")
        base = wid * rows_per_w
        pltpu.sync_copy(pe_hbm, pe_v)

        def out_slice(cb):
            return out_hbm.at[pl.ds(cb, _R), pl.ds(0, NUM_UNITS)]

        def rows_data(rows_v):
            return rows_v.at[:, pl.ds(0, NUM_UNITS)]

        def fire_gathers(idx_v, rows_v, sem):
            return [
                pltpu.async_copy(
                    table_hbm.at[idx_v.at[pl.ds(j * _G, _G)]],
                    rows_v.at[pl.ds(j * _G, _G)],
                    sem,
                )
                for j in range(n_sub)
            ]

        def wait_gathers(idx_v, rows_v, sem):
            for j in range(n_sub):
                pltpu.make_async_copy(
                    table_hbm.at[idx_v.at[pl.ds(j * _G, _G)]],
                    rows_v.at[pl.ds(j * _G, _G)],
                    sem,
                ).wait()

        def add_pe(rows_v):
            def body(l, carry):
                pvs = [pe_v[l, pl.ds(j * _LANES, _LANES)] for j in range(n_vec)]
                for rep in range(reps):
                    r = rep * seq_len + l
                    for j in range(n_vec):
                        s = pl.ds(j * _LANES, _LANES)
                        rows_v[r, s] = rows_v[r, s] + pvs[j]
                return carry

            lax.fori_loop(0, seq_len, body, 0, unroll=False)

        pltpu.sync_copy(ids_hbm.at[pl.ds(base, _R)], idx0)
        fire_gathers(idx0, rows0, sg0)

        def pair(i, carry):
            c = 2 * i
            cb0 = base + c * _R
            cb1 = cb0 + _R

            @pl.when(i > 0)
            def _():
                pltpu.make_async_copy(
                    rows_data(rows1), out_slice(cb1 - 2 * _R), sw1
                ).wait()

            pltpu.sync_copy(ids_hbm.at[pl.ds(cb1, _R)], idx1)
            fire_gathers(idx1, rows1, sg1)

            wait_gathers(idx0, rows0, sg0)
            add_pe(rows0)
            w0 = pltpu.async_copy(rows_data(rows0), out_slice(cb0), sw0)

            nb = base + jnp.minimum(c + 2, n_chunks - 1) * _R
            pltpu.sync_copy(ids_hbm.at[pl.ds(nb, _R)], idx0)
            w0.wait()
            fire_gathers(idx0, rows0, sg0)

            wait_gathers(idx1, rows1, sg1)
            add_pe(rows1)
            pltpu.async_copy(rows_data(rows1), out_slice(cb1), sw1)
            return carry

        lax.fori_loop(0, half, pair, 0, unroll=False)

        wait_gathers(idx0, rows0, sg0)
        pltpu.make_async_copy(
            rows_data(rows1), out_slice(base + (n_chunks - 1) * _R), sw1
        ).wait()

    return k


def kernel(ids, table):
    b, seq_len = ids.shape
    vocab = table.shape[0]
    ids32 = ids.reshape(-1).astype(jnp.int32)
    pe = _pos_enc(seq_len, NUM_UNITS)
    tblp = jnp.pad(table, ((0, 0), (0, _PADW - NUM_UNITS)))
    out = _make_kernel(b * seq_len, seq_len)(ids32, tblp, pe)
    return out.reshape(b, seq_len, _PADW)[:, :, :NUM_UNITS]

# --- scband reference (transcript-rebuilt; emitter-appended) ---
"""Pipeline reference for scband-transformer-embedding-31267361915248 (READ-ONLY COPY).

The authoritative reference and input builder live on the scoring server;
editing this copy changes nothing except your own understanding.
"""

import jax, jax.numpy as jnp
import numpy as np

VOCAB = 1000000
NUM_UNITS = 64


def _sin_cos_enc(from_length, to_length, embedding_size):
    position_enc = np.array([[pos / np.power(10000, 2 * i / embedding_size) for i in range(embedding_size)] for pos in range(from_length, to_length)], dtype=np.float32)
    position_enc[:, 0::2] = np.sin(position_enc[:, 0::2])
    position_enc[:, 1::2] = np.cos(position_enc[:, 1::2])
    return jnp.asarray(position_enc)


def setup_inputs(seed: int = 0) -> dict:
    key = jax.random.key(seed)
    k_ids, k_tab = jax.random.split(key)
    ids = jax.random.randint(k_ids, (4096, 200), 0, VOCAB, dtype=jnp.int64)
    table = jax.random.normal(k_tab, (VOCAB, NUM_UNITS), dtype=jnp.float32) * 0.02
    return {"ids": ids, "table": table}


def reference(ids, table):
    # Embedding lookup (gather)
    embed = jnp.take(table, ids, axis=0)  # [B, L, num_units]
    # Positional encoding added in-place in torch: embed += pe
    pe = _sin_cos_enc(0, embed.shape[1], NUM_UNITS)  # [L, num_units]
    embed = embed + pe[None, :, :]
    return embed

if __name__ == "__main__":
    import jax
    _d = setup_inputs()
    print(jax.jit(kernel)(*tuple(_d.values())))

</pallas_src>

<mosaic_0001>
#map = affine_map<(d0, d1) -> (0)>
#map1 = affine_map<(d0, d1) -> (0, 0)>
module attributes {stable_mosaic.version = 14 : i64} {
  func.func @k(%arg0: i32, %arg1: i32, %arg2: memref<819200xi32, #tpu.memory_space<hbm>>, %arg3: memref<1000000x128xf32, #tpu.memory_space<hbm>>, %arg4: memref<200x64xf32, #tpu.memory_space<hbm>>, %arg5: memref<819200x128xf32, #tpu.memory_space<hbm>>, %arg6: memref<400xi32, #tpu.memory_space<vmem>>, %arg7: memref<400xi32, #tpu.memory_space<vmem>>, %arg8: memref<400x128xf32, #tpu.memory_space<vmem>>, %arg9: memref<400x128xf32, #tpu.memory_space<vmem>>, %arg10: memref<200x64xf32, #tpu.memory_space<vmem>>, %arg11: memref<!tpu.dma_semaphore, #tpu.memory_space<semaphore_mem>>, %arg12: memref<!tpu.dma_semaphore, #tpu.memory_space<semaphore_mem>>, %arg13: memref<!tpu.dma_semaphore, #tpu.memory_space<semaphore_mem>>, %arg14: memref<!tpu.dma_semaphore, #tpu.memory_space<semaphore_mem>>) attributes {dimension_semantics = [#tpu.dimension_semantics<core_parallel>, #tpu.dimension_semantics<subcore_parallel>], iteration_bounds = array<i64: 2, 16>, scalar_prefetch = 0 : i64, scratch_operands = 9 : i64, tpu.core_type = #tpu.core_type<sc_vector_subcore>, window_params = [{transform_indices = #map}, {transform_indices = #map1}, {transform_indices = #map1}, {transform_indices = #map1}]} {
    %mul3A = arith.constant 16 : i32
    %mul3A_0 = arith.muli %arg0, %mul3A : i32
    %add3A = arith.addi %mul3A_0, %arg1 : i32
    %mul3A_1 = arith.constant 25600 : i32
    %mul3A_2 = arith.muli %add3A, %mul3A_1 : i32
    "tpu.region"() ({
      %run_scoped3A = tpu.sem_alloc : memref<!tpu.dma_semaphore, #tpu.memory_space<semaphore_mem>>
      tpu.enqueue_dma source(%arg4 : memref<200x64xf32, #tpu.memory_space<hbm>>) target(%arg10 : memref<200x64xf32, #tpu.memory_space<vmem>>) target_semaphore(%run_scoped3A : memref<!tpu.dma_semaphore, #tpu.memory_space<semaphore_mem>>)
      tpu.wait_dma2 semaphore(%run_scoped3A : memref<!tpu.dma_semaphore, #tpu.memory_space<semaphore_mem>>) src(%arg4 : memref<200x64xf32, #tpu.memory_space<hbm>>) dst(%arg10 : memref<200x64xf32, #tpu.memory_space<vmem>>)
      tpu.yield
    }) : () -> ()
    "tpu.region"() ({
      %run_scoped3A = tpu.sem_alloc : memref<!tpu.dma_semaphore, #tpu.memory_space<semaphore_mem>>
      %dma_start3A_34 = tpu.memref_slice %arg2[%mul3A_2] : memref<819200xi32, #tpu.memory_space<hbm>> -> memref<400xi32, #tpu.memory_space<hbm>>
      %dma_start3A_35 = tpu.memref_slice %arg2[%mul3A_2] : memref<819200xi32, #tpu.memory_space<hbm>> -> memref<400xi32, #tpu.memory_space<hbm>>
      tpu.enqueue_dma source(%dma_start3A_35 : memref<400xi32, #tpu.memory_space<hbm>>) target(%arg6 : memref<400xi32, #tpu.memory_space<vmem>>) target_semaphore(%run_scoped3A : memref<!tpu.dma_semaphore, #tpu.memory_space<semaphore_mem>>)
      %dma_wait3A_36 = tpu.memref_slice %arg2[%mul3A_2] : memref<819200xi32, #tpu.memory_space<hbm>> -> memref<400xi32, #tpu.memory_space<hbm>>
      %dma_wait3A_37 = tpu.memref_slice %arg2[%mul3A_2] : memref<819200xi32, #tpu.memory_space<hbm>> -> memref<400xi32, #tpu.memory_space<hbm>>
      tpu.wait_dma2 semaphore(%run_scoped3A : memref<!tpu.dma_semaphore, #tpu.memory_space<semaphore_mem>>) src(%dma_wait3A_37 : memref<400xi32, #tpu.memory_space<hbm>>) dst(%arg6 : memref<400xi32, #tpu.memory_space<vmem>>)
      tpu.yield
    }) : () -> ()
    %dma_start3A = arith.constant 0 : i32
    %dma_start3A_3 = arith.constant 0 : i32
    %dma_start3A_4 = tpu.memref_slice %arg8[%dma_start3A, %dma_start3A_3] : memref<400x128xf32, #tpu.memory_space<vmem>> -> memref<400x128xf32, #tpu.memory_space<vmem>>
    %dma_start3A_5 = arith.constant 0 : i32
    %dma_start3A_6 = tpu.memref_slice %arg6[%dma_start3A_5] : memref<400xi32, #tpu.memory_space<vmem>> -> memref<400xi32, #tpu.memory_space<vmem>>
    %dma_start3A_7 = arith.constant 0 : i32
    %dma_start3A_8 = arith.constant 0 : i32
    %dma_start3A_9 = tpu.memref_slice %arg3[%dma_start3A_7, %dma_start3A_8] : memref<1000000x128xf32, #tpu.memory_space<hbm>> -> memref<1000000x128xf32, #tpu.memory_space<hbm>>
    tpu.enqueue_indirect_dma source(%dma_start3A_9 : memref<1000000x128xf32, #tpu.memory_space<hbm>>) target(%dma_start3A_4 : memref<400x128xf32, #tpu.memory_space<vmem>>) offsets(%dma_start3A_6 : memref<400xi32, #tpu.memory_space<vmem>>) semaphore(%arg11 : memref<!tpu.dma_semaphore, #tpu.memory_space<semaphore_mem>>)
    %scan3A = arith.constant 0 : i32
    %scan3A_10 = arith.constant 0 : i32
    %scan3A_11 = arith.constant 32 : i32
    %scan3A_12 = arith.addi %scan3A_10, %scan3A_11 : i32
    %scan3A_13 = arith.constant 1 : i32
    scf.for %scan3A_34 = %scan3A_10 to %scan3A_12 step %scan3A_13  : i32 {
      %mul3A_35 = arith.constant 2 : i32
      %mul3A_36 = arith.muli %mul3A_35, %scan3A_34 : i32
      %mul3A_37 = arith.constant 400 : i32
      %mul3A_38 = arith.muli %mul3A_36, %mul3A_37 : i32
      %add3A_39 = arith.addi %mul3A_2, %mul3A_38 : i32
      %add3A_40 = arith.constant 400 : i32
      %add3A_41 = arith.addi %add3A_39, %add3A_40 : i32
      %gt3A = arith.constant 0 : i32
      %gt3A_42 = arith.cmpi sgt, %scan3A_34, %gt3A : i32
      %convert_element_type3A = arith.extui %gt3A_42 : i1 to i32
      %cond3A = arith.constant 0 : i32
      %cond3A_43 = arith.cmpi ne, %convert_element_type3A, %cond3A : i32
      scf.if %cond3A_43 {
        %sub3A = arith.constant 800 : i32
        %sub3A_124 = arith.subi %add3A_41, %sub3A : i32
        %dma_wait3A_125 = arith.constant 0 : i32
        %dma_wait3A_126 = arith.constant 0 : i32
        %dma_wait3A_127 = tpu.memref_slice %arg9[%dma_wait3A_125, %dma_wait3A_126] : memref<400x128xf32, #tpu.memory_space<vmem>> -> memref<400x64xf32, #tpu.memory_space<vmem>>
        %dma_wait3A_128 = arith.constant 0 : i32
        %dma_wait3A_129 = tpu.memref_slice %arg5[%sub3A_124, %dma_wait3A_128] : memref<819200x128xf32, #tpu.memory_space<hbm>> -> memref<400x64xf32, #tpu.memory_space<hbm>>
        %dma_wait3A_130 = arith.constant 0 : i32
        %dma_wait3A_131 = tpu.memref_slice %arg5[%sub3A_124, %dma_wait3A_130] : memref<819200x128xf32, #tpu.memory_space<hbm>> -> memref<400x64xf32, #tpu.memory_space<hbm>>
        %dma_wait3A_132 = arith.constant 0 : i32
        %dma_wait3A_133 = arith.constant 0 : i32
        %dma_wait3A_134 = tpu.memref_slice %arg9[%dma_wait3A_132, %dma_wait3A_133] : memref<400x128xf32, #tpu.memory_space<vmem>> -> memref<400x64xf32, #tpu.memory_space<vmem>>
        tpu.wait_dma2 semaphore(%arg14 : memref<!tpu.dma_semaphore, #tpu.memory_space<semaphore_mem>>) src(%dma_wait3A_134 : memref<400x64xf32, #tpu.memory_space<vmem>>) dst(%dma_wait3A_131 : memref<400x64xf32, #tpu.memory_space<hbm>>)
      } else {
      }
      "tpu.region"() ({
        %run_scoped3A = tpu.sem_alloc : memref<!tpu.dma_semaphore, #tpu.memory_space<semaphore_mem>>
        %dma_start3A_124 = tpu.memref_slice %arg2[%add3A_41] : memref<819200xi32, #tpu.memory_space<hbm>> -> memref<400xi32, #tpu.memory_space<hbm>>
        %dma_start3A_125 = tpu.memref_slice %arg2[%add3A_41] : memref<819200xi32, #tpu.memory_space<hbm>> -> memref<400xi32, #tpu.memory_space<hbm>>
        tpu.enqueue_dma source(%dma_start3A_125 : memref<400xi32, #tpu.memory_space<hbm>>) target(%arg7 : memref<400xi32, #tpu.memory_space<vmem>>) target_semaphore(%run_scoped3A : memref<!tpu.dma_semaphore, #tpu.memory_space<semaphore_mem>>)
        %dma_wait3A_126 = tpu.memref_slice %arg2[%add3A_41] : memref<819200xi32, #tpu.memory_space<hbm>> -> memref<400xi32, #tpu.memory_space<hbm>>
        %dma_wait3A_127 = tpu.memref_slice %arg2[%add3A_41] : memref<819200xi32, #tpu.memory_space<hbm>> -> memref<400xi32, #tpu.memory_space<hbm>>
        tpu.wait_dma2 semaphore(%run_scoped3A : memref<!tpu.dma_semaphore, #tpu.memory_space<semaphore_mem>>) src(%dma_wait3A_127 : memref<400xi32, #tpu.memory_space<hbm>>) dst(%arg7 : memref<400xi32, #tpu.memory_space<vmem>>)
        tpu.yield
      }) : () -> ()
      %dma_start3A_44 = arith.constant 0 : i32
      %dma_start3A_45 = arith.constant 0 : i32
      %dma_start3A_46 = tpu.memref_slice %arg9[%dma_start3A_44, %dma_start3A_45] : memref<400x128xf32, #tpu.memory_space<vmem>> -> memref<400x128xf32, #tpu.memory_space<vmem>>
      %dma_start3A_47 = arith.constant 0 : i32
      %dma_start3A_48 = tpu.memref_slice %arg7[%dma_start3A_47] : memref<400xi32, #tpu.memory_space<vmem>> -> memref<400xi32, #tpu.memory_space<vmem>>
      %dma_start3A_49 = arith.constant 0 : i32
      %dma_start3A_50 = arith.constant 0 : i32
      %dma_start3A_51 = tpu.memref_slice %arg3[%dma_start3A_49, %dma_start3A_50] : memref<1000000x128xf32, #tpu.memory_space<hbm>> -> memref<1000000x128xf32, #tpu.memory_space<hbm>>
      tpu.enqueue_indirect_dma source(%dma_start3A_51 : memref<1000000x128xf32, #tpu.memory_space<hbm>>) target(%dma_start3A_46 : memref<400x128xf32, #tpu.memory_space<vmem>>) offsets(%dma_start3A_48 : memref<400xi32, #tpu.memory_space<vmem>>) semaphore(%arg12 : memref<!tpu.dma_semaphore, #tpu.memory_space<semaphore_mem>>)
      %dma_wait3A_52 = arith.constant 0 : i32
      %dma_wait3A_53 = arith.constant 0 : i32
      %dma_wait3A_54 = tpu.memref_slice %arg8[%dma_wait3A_52, %dma_wait3A_53] : memref<400x128xf32, #tpu.memory_space<vmem>> -> memref<400x128xf32, #tpu.memory_space<vmem>>
      %dma_wait3A_55 = arith.constant 0 : i32
      %dma_wait3A_56 = tpu.memref_slice %arg6[%dma_wait3A_55] : memref<400xi32, #tpu.memory_space<vmem>> -> memref<400xi32, #tpu.memory_space<vmem>>
      %dma_wait3A_57 = arith.constant 0 : i32
      %dma_wait3A_58 = arith.constant 0 : i32
      %dma_wait3A_59 = tpu.memref_slice %arg3[%dma_wait3A_57, %dma_wait3A_58] : memref<1000000x128xf32, #tpu.memory_space<hbm>> -> memref<1000000x128xf32, #tpu.memory_space<hbm>>
      tpu.wait_indirect_dma semaphore(%arg11 : memref<!tpu.dma_semaphore, #tpu.memory_space<semaphore_mem>>) src(%dma_wait3A_59 : memref<1000000x128xf32, #tpu.memory_space<hbm>>) dst(%dma_wait3A_54 : memref<400x128xf32, #tpu.memory_space<vmem>>)
      %scan3A_60 = arith.constant 0 : i32
      %scan3A_61 = arith.constant 0 : i32
      %scan3A_62 = arith.constant 200 : i32
      %scan3A_63 = arith.addi %scan3A_61, %scan3A_62 : i32
      %scan3A_64 = arith.constant 1 : i32
      scf.for %scan3A_124 = %scan3A_61 to %scan3A_63 step %scan3A_64  : i32 {
        %get3A = arith.index_cast %scan3A_124 : i32 to index
        %get3A_125 = arith.constant 0 : index
        %get3A_126 = tpu.vector_load %arg10[%get3A, %get3A_125] {strides = array<i32>} : memref<200x64xf32, #tpu.memory_space<vmem>>, vector<1x16xf32>,
        %get3A_127 = vector.shape_cast %get3A_126 : vector<1x16xf32> to vector<16xf32>
        %get3A_128 = arith.index_cast %scan3A_124 : i32 to index
        %get3A_129 = arith.constant 16 : index
        %get3A_130 = tpu.vector_load %arg10[%get3A_128, %get3A_129] {strides = array<i32>} : memref<200x64xf32, #tpu.memory_space<vmem>>, vector<1x16xf32>,
        %get3A_131 = vector.shape_cast %get3A_130 : vector<1x16xf32> to vector<16xf32>
        %get3A_132 = arith.index_cast %scan3A_124 : i32 to index
        %get3A_133 = arith.constant 32 : index
        %get3A_134 = tpu.vector_load %arg10[%get3A_132, %get3A_133] {strides = array<i32>} : memref<200x64xf32, #tpu.memory_space<vmem>>, vector<1x16xf32>,
        %get3A_135 = vector.shape_cast %get3A_134 : vector<1x16xf32> to vector<16xf32>
        %get3A_136 = arith.index_cast %scan3A_124 : i32 to index
        %get3A_137 = arith.constant 48 : index
        %get3A_138 = tpu.vector_load %arg10[%get3A_136, %get3A_137] {strides = array<i32>} : memref<200x64xf32, #tpu.memory_space<vmem>>, vector<1x16xf32>,
        %get3A_139 = vector.shape_cast %get3A_138 : vector<1x16xf32> to vector<16xf32>
        %add3A_140 = arith.constant 0 : i32
        %add3A_141 = arith.addi %add3A_140, %scan3A_124 : i32
        %get3A_142 = arith.index_cast %add3A_141 : i32 to index
        %get3A_143 = arith.constant 0 : index
        %get3A_144 = tpu.vector_load %arg8[%get3A_142, %get3A_143] {strides = array<i32>} : memref<400x128xf32, #tpu.memory_space<vmem>>, vector<1x16xf32>,
        %get3A_145 = vector.shape_cast %get3A_144 : vector<1x16xf32> to vector<16xf32>
        %add3A_146 = arith.addf %get3A_145, %get3A_127 : vector<16xf32>
        %swap3A = arith.index_cast %add3A_141 : i32 to index
        %swap3A_147 = arith.constant 0 : index
        %swap3A_148 = tpu.vector_load %arg8[%swap3A, %swap3A_147] {strides = array<i32>} : memref<400x128xf32, #tpu.memory_space<vmem>>, vector<1x16xf32>,
        %swap3A_149 = vector.shape_cast %swap3A_148 : vector<1x16xf32> to vector<16xf32>
        %swap3A_150 = vector.shape_cast %add3A_146 : vector<16xf32> to vector<1x16xf32>
        tpu.vector_store %arg8[%swap3A, %swap3A_147], %swap3A_150 {strides = array<i32>} : memref<400x128xf32, #tpu.memory_space<vmem>>, vector<1x16xf32>,
        %get3A_151 = arith.index_cast %add3A_141 : i32 to index
        %get3A_152 = arith.constant 16 : index
        %get3A_153 = tpu.vector_load %arg8[%get3A_151, %get3A_152] {strides = array<i32>} : memref<400x128xf32, #tpu.memory_space<vmem>>, vector<1x16xf32>,
        %get3A_154 = vector.shape_cast %get3A_153 : vector<1x16xf32> to vector<16xf32>
        %add3A_155 = arith.addf %get3A_154, %get3A_131 : vector<16xf32>
        %swap3A_156 = arith.index_cast %add3A_141 : i32 to index
        %swap3A_157 = arith.constant 16 : index
        %swap3A_158 = tpu.vector_load %arg8[%swap3A_156, %swap3A_157] {strides = array<i32>} : memref<400x128xf32, #tpu.memory_space<vmem>>, vector<1x16xf32>,
        %swap3A_159 = vector.shape_cast %swap3A_158 : vector<1x16xf32> to vector<16xf32>
        %swap3A_160 = vector.shape_cast %add3A_155 : vector<16xf32> to vector<1x16xf32>
        tpu.vector_store %arg8[%swap3A_156, %swap3A_157], %swap3A_160 {strides = array<i32>} : memref<400x128xf32, #tpu.memory_space<vmem>>, vector<1x16xf32>,
        %get3A_161 = arith.index_cast %add3A_141 : i32 to index
        %get3A_162 = arith.constant 32 : index
        %get3A_163 = tpu.vector_load %arg8[%get3A_161, %get3A_162] {strides = array<i32>} : memref<400x128xf32, #tpu.memory_space<vmem>>, vector<1x16xf32>,
        %get3A_164 = vector.shape_cast %get3A_163 : vector<1x16xf32> to vector<16xf32>
        %add3A_165 = arith.addf %get3A_164, %get3A_135 : vector<16xf32>
        %swap3A_166 = arith.index_cast %add3A_141 : i32 to index
        %swap3A_167 = arith.constant 32 : index
        %swap3A_168 = tpu.vector_load %arg8[%swap3A_166, %swap3A_167] {strides = array<i32>} : memref<400x128xf32, #tpu.memory_space<vmem>>, vector<1x16xf32>,
        %swap3A_169 = vector.shape_cast %swap3A_168 : vector<1x16xf32> to vector<16xf32>
        %swap3A_170 = vector.shape_cast %add3A_165 : vector<16xf32> to vector<1x16xf32>
        tpu.vector_store %arg8[%swap3A_166, %swap3A_167], %swap3A_170 {strides = array<i32>} : memref<400x128xf32, #tpu.memory_space<vmem>>, vector<1x16xf32>,
        %get3A_171 = arith.index_cast %add3A_141 : i32 to index
        %get3A_172 = arith.constant 48 : index
        %get3A_173 = tpu.vector_load %arg8[%get3A_171, %get3A_172] {strides = array<i32>} : memref<400x128xf32, #tpu.memory_space<vmem>>, vector<1x16xf32>,
        %get3A_174 = vector.shape_cast %get3A_173 : vector<1x16xf32> to vector<16xf32>
        %add3A_175 = arith.addf %get3A_174, %get3A_139 : vector<16xf32>
        %swap3A_176 = arith.index_cast %add3A_141 : i32 to index
        %swap3A_177 = arith.constant 48 : index
        %swap3A_178 = tpu.vector_load %arg8[%swap3A_176, %swap3A_177] {strides = array<i32>} : memref<400x128xf32, #tpu.memory_space<vmem>>, vector<1x16xf32>,
        %swap3A_179 = vector.shape_cast %swap3A_178 : vector<1x16xf32> to vector<16xf32>
        %swap3A_180 = vector.shape_cast %add3A_175 : vector<16xf32> to vector<1x16xf32>
        tpu.vector_store %arg8[%swap3A_176, %swap3A_177], %swap3A_180 {strides = array<i32>} : memref<400x128xf32, #tpu.memory_space<vmem>>, vector<1x16xf32>,
        %add3A_181 = arith.constant 200 : i32
        %add3A_182 = arith.addi %add3A_181, %scan3A_124 : i32
        %get3A_183 = arith.index_cast %add3A_182 : i32 to index
        %get3A_184 = arith.constant 0 : index
        %get3A_185 = tpu.vector_load %arg8[%get3A_183, %get3A_184] {strides = array<i32>} : memref<400x128xf32, #tpu.memory_space<vmem>>, vector<1x16xf32>,
        %get3A_186 = vector.shape_cast %get3A_185 : vector<1x16xf32> to vector<16xf32>
        %add3A_187 = arith.addf %get3A_186, %get3A_127 : vector<16xf32>
        %swap3A_188 = arith.index_cast %add3A_182 : i32 to index
        %swap3A_189 = arith.constant 0 : index
        %swap3A_190 = tpu.vector_load %arg8[%swap3A_188, %swap3A_189] {strides = array<i32>} : memref<400x128xf32, #tpu.memory_space<vmem>>, vector<1x16xf32>,
        %swap3A_191 = vector.shape_cast %swap3A_190 : vector<1x16xf32> to vector<16xf32>
        %swap3A_192 = vector.shape_cast %add3A_187 : vector<16xf32> to vector<1x16xf32>
        tpu.vector_store %arg8[%swap3A_188, %swap3A_189], %swap3A_192 {strides = array<i32>} : memref<400x128xf32, #tpu.memory_space<vmem>>, vector<1x16xf32>,
        %get3A_193 = arith.index_cast %add3A_182 : i32 to index
        %get3A_194 = arith.constant 16 : index
        %get3A_195 = tpu.vector_load %arg8[%get3A_193, %get3A_194] {strides = array<i32>} : memref<400x128xf32, #tpu.memory_space<vmem>>, vector<1x16xf32>,
        %get3A_196 = vector.shape_cast %get3A_195 : vector<1x16xf32> to vector<16xf32>
        %add3A_197 = arith.addf %get3A_196, %get3A_131 : vector<16xf32>
        %swap3A_198 = arith.index_cast %add3A_182 : i32 to index
        %swap3A_199 = arith.constant 16 : index
        %swap3A_200 = tpu.vector_load %arg8[%swap3A_198, %swap3A_199] {strides = array<i32>} : memref<400x128xf32, #tpu.memory_space<vmem>>, vector<1x16xf32>,
        %swap3A_201 = vector.shape_cast %swap3A_200 : vector<1x16xf32> to vector<16xf32>
        %swap3A_202 = vector.shape_cast %add3A_197 : vector<16xf32> to vector<1x16xf32>
        tpu.vector_store %arg8[%swap3A_198, %swap3A_199], %swap3A_202 {strides = array<i32>} : memref<400x128xf32, #tpu.memory_space<vmem>>, vector<1x16xf32>,
        %get3A_203 = arith.index_cast %add3A_182 : i32 to index
        %get3A_204 = arith.constant 32 : index
        %get3A_205 = tpu.vector_load %arg8[%get3A_203, %get3A_204] {strides = array<i32>} : memref<400x128xf32, #tpu.memory_space<vmem>>, vector<1x16xf32>,
        %get3A_206 = vector.shape_cast %get3A_205 : vector<1x16xf32> to vector<16xf32>
        %add3A_207 = arith.addf %get3A_206, %get3A_135 : vector<16xf32>
        %swap3A_208 = arith.index_cast %add3A_182 : i32 to index
        %swap3A_209 = arith.constant 32 : index
        %swap3A_210 = tpu.vector_load %arg8[%swap3A_208, %swap3A_209] {strides = array<i32>} : memref<400x128xf32, #tpu.memory_space<vmem>>, vector<1x16xf32>,
        %swap3A_211 = vector.shape_cast %swap3A_210 : vector<1x16xf32> to vector<16xf32>
        %swap3A_212 = vector.shape_cast %add3A_207 : vector<16xf32> to vector<1x16xf32>
        tpu.vector_store %arg8[%swap3A_208, %swap3A_209], %swap3A_212 {strides = array<i32>} : memref<400x128xf32, #tpu.memory_space<vmem>>, vector<1x16xf32>,
        %get3A_213 = arith.index_cast %add3A_182 : i32 to index
        %get3A_214 = arith.constant 48 : index
        %get3A_215 = tpu.vector_load %arg8[%get3A_213, %get3A_214] {strides = array<i32>} : memref<400x128xf32, #tpu.memory_space<vmem>>, vector<1x16xf32>,
        %get3A_216 = vector.shape_cast %get3A_215 : vector<1x16xf32> to vector<16xf32>
        %add3A_217 = arith.addf %get3A_216, %get3A_139 : vector<16xf32>
        %swap3A_218 = arith.index_cast %add3A_182 : i32 to index
        %swap3A_219 = arith.constant 48 : index
        %swap3A_220 = tpu.vector_load %arg8[%swap3A_218, %swap3A_219] {strides = array<i32>} : memref<400x128xf32, #tpu.memory_space<vmem>>, vector<1x16xf32>,
        %swap3A_221 = vector.shape_cast %swap3A_220 : vector<1x16xf32> to vector<16xf32>
        %swap3A_222 = vector.shape_cast %add3A_217 : vector<16xf32> to vector<1x16xf32>
        tpu.vector_store %arg8[%swap3A_218, %swap3A_219], %swap3A_222 {strides = array<i32>} : memref<400x128xf32, #tpu.memory_space<vmem>>, vector<1x16xf32>,
      }
      %scan3A_65 = arith.constant 200 : i32
      %dma_start3A_66 = arith.constant 0 : i32
      %dma_start3A_67 = arith.constant 0 : i32
      %dma_start3A_68 = tpu.memref_slice %arg8[%dma_start3A_66, %dma_start3A_67] : memref<400x128xf32, #tpu.memory_space<vmem>> -> memref<400x64xf32, #tpu.memory_space<vmem>>
      %dma_start3A_69 = arith.constant 0 : i32
      %dma_start3A_70 = tpu.memref_slice %arg5[%add3A_39, %dma_start3A_69] : memref<819200x128xf32, #tpu.memory_space<hbm>> -> memref<400x64xf32, #tpu.memory_space<hbm>>
      %dma_start3A_71 = arith.constant 0 : i32
      %dma_start3A_72 = tpu.memref_slice %arg5[%add3A_39, %dma_start3A_71] : memref<819200x128xf32, #tpu.memory_space<hbm>> -> memref<400x64xf32, #tpu.memory_space<hbm>>
      %dma_start3A_73 = arith.constant 0 : i32
      %dma_start3A_74 = arith.constant 0 : i32
      %dma_start3A_75 = tpu.memref_slice %arg8[%dma_start3A_73, %dma_start3A_74] : memref<400x128xf32, #tpu.memory_space<vmem>> -> memref<400x64xf32, #tpu.memory_space<vmem>>
      tpu.enqueue_dma source(%dma_start3A_75 : memref<400x64xf32, #tpu.memory_space<vmem>>) target(%dma_start3A_72 : memref<400x64xf32, #tpu.memory_space<hbm>>) target_semaphore(%arg13 : memref<!tpu.dma_semaphore, #tpu.memory_space<semaphore_mem>>)
      %add3A_76 = arith.constant 2 : i32
      %add3A_77 = arith.addi %mul3A_36, %add3A_76 : i32
      %min3A = arith.constant 63 : i32
      %min3A_78 = arith.minsi %add3A_77, %min3A : i32
      %mul3A_79 = arith.constant 400 : i32
      %mul3A_80 = arith.muli %min3A_78, %mul3A_79 : i32
      %add3A_81 = arith.addi %mul3A_2, %mul3A_80 : i32
      "tpu.region"() ({
        %run_scoped3A = tpu.sem_alloc : memref<!tpu.dma_semaphore, #tpu.memory_space<semaphore_mem>>
        %dma_start3A_124 = tpu.memref_slice %arg2[%add3A_81] : memref<819200xi32, #tpu.memory_space<hbm>> -> memref<400xi32, #tpu.memory_space<hbm>>
        %dma_start3A_125 = tpu.memref_slice %arg2[%add3A_81] : memref<819200xi32, #tpu.memory_space<hbm>> -> memref<400xi32, #tpu.memory_space<hbm>>
        tpu.enqueue_dma source(%dma_start3A_125 : memref<400xi32, #tpu.memory_space<hbm>>) target(%arg6 : memref<400xi32, #tpu.memory_space<vmem>>) target_semaphore(%run_scoped3A : memref<!tpu.dma_semaphore, #tpu.memory_space<semaphore_mem>>)
        %dma_wait3A_126 = tpu.memref_slice %arg2[%add3A_81] : memref<819200xi32, #tpu.memory_space<hbm>> -> memref<400xi32, #tpu.memory_space<hbm>>
        %dma_wait3A_127 = tpu.memref_slice %arg2[%add3A_81] : memref<819200xi32, #tpu.memory_space<hbm>> -> memref<400xi32, #tpu.memory_space<hbm>>
        tpu.wait_dma2 semaphore(%run_scoped3A : memref<!tpu.dma_semaphore, #tpu.memory_space<semaphore_mem>>) src(%dma_wait3A_127 : memref<400xi32, #tpu.memory_space<hbm>>) dst(%arg6 : memref<400xi32, #tpu.memory_space<vmem>>)
        tpu.yield
      }) : () -> ()
      %dma_wait3A_82 = arith.constant 0 : i32
      %dma_wait3A_83 = arith.constant 0 : i32
      %dma_wait3A_84 = tpu.memref_slice %arg8[%dma_wait3A_82, %dma_wait3A_83] : memref<400x128xf32, #tpu.memory_space<vmem>> -> memref<400x64xf32, #tpu.memory_space<vmem>>
      %dma_wait3A_85 = arith.constant 0 : i32
      %dma_wait3A_86 = tpu.memref_slice %arg5[%add3A_39, %dma_wait3A_85] : memref<819200x128xf32, #tpu.memory_space<hbm>> -> memref<400x64xf32, #tpu.memory_space<hbm>>
      %dma_wait3A_87 = arith.constant 0 : i32
      %dma_wait3A_88 = tpu.memref_slice %arg5[%add3A_39, %dma_wait3A_87] : memref<819200x128xf32, #tpu.memory_space<hbm>> -> memref<400x64xf32, #tpu.memory_space<hbm>>
      %dma_wait3A_89 = arith.constant 0 : i32
      %dma_wait3A_90 = arith.constant 0 : i32
      %dma_wait3A_91 = tpu.memref_slice %arg8[%dma_wait3A_89, %dma_wait3A_90] : memref<400x128xf32, #tpu.memory_space<vmem>> -> memref<400x64xf32, #tpu.memory_space<vmem>>
      tpu.wait_dma2 semaphore(%arg13 : memref<!tpu.dma_semaphore, #tpu.memory_space<semaphore_mem>>) src(%dma_wait3A_91 : memref<400x64xf32, #tpu.memory_space<vmem>>) dst(%dma_wait3A_88 : memref<400x64xf32, #tpu.memory_space<hbm>>)
      %dma_start3A_92 = arith.constant 0 : i32
      %dma_start3A_93 = arith.constant 0 : i32
      %dma_start3A_94 = tpu.memref_slice %arg8[%dma_start3A_92, %dma_start3A_93] : memref<400x128xf32, #tpu.memory_space<vmem>> -> memref<400x128xf32, #tpu.memory_space<vmem>>
      %dma_start3A_95 = arith.constant 0 : i32
      %dma_start3A_96 = tpu.memref_slice %arg6[%dma_start3A_95] : memref<400xi32, #tpu.memory_space<vmem>> -> memref<400xi32, #tpu.memory_space<vmem>>
      %dma_start3A_97 = arith.constant 0 : i32
      %dma_start3A_98 = arith.constant 0 : i32
      %dma_start3A_99 = tpu.memref_slice %arg3[%dma_start3A_97, %dma_start3A_98] : memref<1000000x128xf32, #tpu.memory_space<hbm>> -> memref<1000000x128xf32, #tpu.memory_space<hbm>>
      tpu.enqueue_indirect_dma source(%dma_start3A_99 : memref<1000000x128xf32, #tpu.memory_space<hbm>>) target(%dma_start3A_94 : memref<400x128xf32, #tpu.memory_space<vmem>>) offsets(%dma_start3A_96 : memref<400xi32, #tpu.memory_space<vmem>>) semaphore(%arg11 : memref<!tpu.dma_semaphore, #tpu.memory_space<semaphore_mem>>)
      %dma_wait3A_100 = arith.constant 0 : i32
      %dma_wait3A_101 = arith.constant 0 : i32
      %dma_wait3A_102 = tpu.memref_slice %arg9[%dma_wait3A_100, %dma_wait3A_101] : memref<400x128xf32, #tpu.memory_space<vmem>> -> memref<400x128xf32, #tpu.memory_space<vmem>>
      %dma_wait3A_103 = arith.constant 0 : i32
      %dma_wait3A_104 = tpu.memref_slice %arg7[%dma_wait3A_103] : memref<400xi32, #tpu.memory_space<vmem>> -> memref<400xi32, #tpu.memory_space<vmem>>
      %dma_wait3A_105 = arith.constant 0 : i32
      %dma_wait3A_106 = arith.constant 0 : i32
      %dma_wait3A_107 = tpu.memref_slice %arg3[%dma_wait3A_105, %dma_wait3A_106] : memref<1000000x128xf32, #tpu.memory_space<hbm>> -> memref<1000000x128xf32, #tpu.memory_space<hbm>>
      tpu.wait_indirect_dma semaphore(%arg12 : memref<!tpu.dma_semaphore, #tpu.memory_space<semaphore_mem>>) src(%dma_wait3A_107 : memref<1000000x128xf32, #tpu.memory_space<hbm>>) dst(%dma_wait3A_102 : memref<400x128xf32, #tpu.memory_space<vmem>>)
      %scan3A_108 = arith.constant 0 : i32
      %scan3A_109 = arith.constant 0 : i32
      %scan3A_110 = arith.constant 200 : i32
      %scan3A_111 = arith.addi %scan3A_109, %scan3A_110 : i32
      %scan3A_112 = arith.constant 1 : i32
      scf.for %scan3A_124 = %scan3A_109 to %scan3A_111 step %scan3A_112  : i32 {
        %get3A = arith.index_cast %scan3A_124 : i32 to index
        %get3A_125 = arith.constant 0 : index
        %get3A_126 = tpu.vector_load %arg10[%get3A, %get3A_125] {strides = array<i32>} : memref<200x64xf32, #tpu.memory_space<vmem>>, vector<1x16xf32>,
        %get3A_127 = vector.shape_cast %get3A_126 : vector<1x16xf32> to vector<16xf32>
        %get3A_128 = arith.index_cast %scan3A_124 : i32 to index
        %get3A_129 = arith.constant 16 : index
        %get3A_130 = tpu.vector_load %arg10[%get3A_128, %get3A_129] {strides = array<i32>} : memref<200x64xf32, #tpu.memory_space<vmem>>, vector<1x16xf32>,
        %get3A_131 = vector.shape_cast %get3A_130 : vector<1x16xf32> to vector<16xf32>
        %get3A_132 = arith.index_cast %scan3A_124 : i32 to index
        %get3A_133 = arith.constant 32 : index
        %get3A_134 = tpu.vector_load %arg10[%get3A_132, %get3A_133] {strides = array<i32>} : memref<200x64xf32, #tpu.memory_space<vmem>>, vector<1x16xf32>,
        %get3A_135 = vector.shape_cast %get3A_134 : vector<1x16xf32> to vector<16xf32>
        %get3A_136 = arith.index_cast %scan3A_124 : i32 to index
        %get3A_137 = arith.constant 48 : index
        %get3A_138 = tpu.vector_load %arg10[%get3A_136, %get3A_137] {strides = array<i32>} : memref<200x64xf32, #tpu.memory_space<vmem>>, vector<1x16xf32>,
        %get3A_139 = vector.shape_cast %get3A_138 : vector<1x16xf32> to vector<16xf32>
        %add3A_140 = arith.constant 0 : i32
        %add3A_141 = arith.addi %add3A_140, %scan3A_124 : i32
        %get3A_142 = arith.index_cast %add3A_141 : i32 to index
        %get3A_143 = arith.constant 0 : index
        %get3A_144 = tpu.vector_load %arg9[%get3A_142, %get3A_143] {strides = array<i32>} : memref<400x128xf32, #tpu.memory_space<vmem>>, vector<1x16xf32>,
        %get3A_145 = vector.shape_cast %get3A_144 : vector<1x16xf32> to vector<16xf32>
        %add3A_146 = arith.addf %get3A_145, %get3A_127 : vector<16xf32>
        %swap3A = arith.index_cast %add3A_141 : i32 to index
        %swap3A_147 = arith.constant 0 : index
        %swap3A_148 = tpu.vector_load %arg9[%swap3A, %swap3A_147] {strides = array<i32>} : memref<400x128xf32, #tpu.memory_space<vmem>>, vector<1x16xf32>,
        %swap3A_149 = vector.shape_cast %swap3A_148 : vector<1x16xf32> to vector<16xf32>
        %swap3A_150 = vector.shape_cast %add3A_146 : vector<16xf32> to vector<1x16xf32>
        tpu.vector_store %arg9[%swap3A, %swap3A_147], %swap3A_150 {strides = array<i32>} : memref<400x128xf32, #tpu.memory_space<vmem>>, vector<1x16xf32>,
        %get3A_151 = arith.index_cast %add3A_141 : i32 to index
        %get3A_152 = arith.constant 16 : index
        %get3A_153 = tpu.vector_load %arg9[%get3A_151, %get3A_152] {strides = array<i32>} : memref<400x128xf32, #tpu.memory_space<vmem>>, vector<1x16xf32>,
        %get3A_154 = vector.shape_cast %get3A_153 : vector<1x16xf32> to vector<16xf32>
        %add3A_155 = arith.addf %get3A_154, %get3A_131 : vector<16xf32>
        %swap3A_156 = arith.index_cast %add3A_141 : i32 to index
        %swap3A_157 = arith.constant 16 : index
        %swap3A_158 = tpu.vector_load %arg9[%swap3A_156, %swap3A_157] {strides = array<i32>} : memref<400x128xf32, #tpu.memory_space<vmem>>, vector<1x16xf32>,
        %swap3A_159 = vector.shape_cast %swap3A_158 : vector<1x16xf32> to vector<16xf32>
        %swap3A_160 = vector.shape_cast %add3A_155 : vector<16xf32> to vector<1x16xf32>
        tpu.vector_store %arg9[%swap3A_156, %swap3A_157], %swap3A_160 {strides = array<i32>} : memref<400x128xf32, #tpu.memory_space<vmem>>, vector<1x16xf32>,
        %get3A_161 = arith.index_cast %add3A_141 : i32 to index
        %get3A_162 = arith.constant 32 : index
        %get3A_163 = tpu.vector_load %arg9[%get3A_161, %get3A_162] {strides = array<i32>} : memref<400x128xf32, #tpu.memory_space<vmem>>, vector<1x16xf32>,
        %get3A_164 = vector.shape_cast %get3A_163 : vector<1x16xf32> to vector<16xf32>
        %add3A_165 = arith.addf %get3A_164, %get3A_135 : vector<16xf32>
        %swap3A_166 = arith.index_cast %add3A_141 : i32 to index
        %swap3A_167 = arith.constant 32 : index
        %swap3A_168 = tpu.vector_load %arg9[%swap3A_166, %swap3A_167] {strides = array<i32>} : memref<400x128xf32, #tpu.memory_space<vmem>>, vector<1x16xf32>,
        %swap3A_169 = vector.shape_cast %swap3A_168 : vector<1x16xf32> to vector<16xf32>
        %swap3A_170 = vector.shape_cast %add3A_165 : vector<16xf32> to vector<1x16xf32>
        tpu.vector_store %arg9[%swap3A_166, %swap3A_167], %swap3A_170 {strides = array<i32>} : memref<400x128xf32, #tpu.memory_space<vmem>>, vector<1x16xf32>,
        %get3A_171 = arith.index_cast %add3A_141 : i32 to index
        %get3A_172 = arith.constant 48 : index
        %get3A_173 = tpu.vector_load %arg9[%get3A_171, %get3A_172] {strides = array<i32>} : memref<400x128xf32, #tpu.memory_space<vmem>>, vector<1x16xf32>,
        %get3A_174 = vector.shape_cast %get3A_173 : vector<1x16xf32> to vector<16xf32>
        %add3A_175 = arith.addf %get3A_174, %get3A_139 : vector<16xf32>
        %swap3A_176 = arith.index_cast %add3A_141 : i32 to index
        %swap3A_177 = arith.constant 48 : index
        %swap3A_178 = tpu.vector_load %arg9[%swap3A_176, %swap3A_177] {strides = array<i32>} : memref<400x128xf32, #tpu.memory_space<vmem>>, vector<1x16xf32>,
        %swap3A_179 = vector.shape_cast %swap3A_178 : vector<1x16xf32> to vector<16xf32>
        %swap3A_180 = vector.shape_cast %add3A_175 : vector<16xf32> to vector<1x16xf32>
        tpu.vector_store %arg9[%swap3A_176, %swap3A_177], %swap3A_180 {strides = array<i32>} : memref<400x128xf32, #tpu.memory_space<vmem>>, vector<1x16xf32>,
        %add3A_181 = arith.constant 200 : i32
        %add3A_182 = arith.addi %add3A_181, %scan3A_124 : i32
        %get3A_183 = arith.index_cast %add3A_182 : i32 to index
        %get3A_184 = arith.constant 0 : index
        %get3A_185 = tpu.vector_load %arg9[%get3A_183, %get3A_184] {strides = array<i32>} : memref<400x128xf32, #tpu.memory_space<vmem>>, vector<1x16xf32>,
        %get3A_186 = vector.shape_cast %get3A_185 : vector<1x16xf32> to vector<16xf32>
        %add3A_187 = arith.addf %get3A_186, %get3A_127 : vector<16xf32>
        %swap3A_188 = arith.index_cast %add3A_182 : i32 to index
        %swap3A_189 = arith.constant 0 : index
        %swap3A_190 = tpu.vector_load %arg9[%swap3A_188, %swap3A_189] {strides = array<i32>} : memref<400x128xf32, #tpu.memory_space<vmem>>, vector<1x16xf32>,
        %swap3A_191 = vector.shape_cast %swap3A_190 : vector<1x16xf32> to vector<16xf32>
        %swap3A_192 = vector.shape_cast %add3A_187 : vector<16xf32> to vector<1x16xf32>
        tpu.vector_store %arg9[%swap3A_188, %swap3A_189], %swap3A_192 {strides = array<i32>} : memref<400x128xf32, #tpu.memory_space<vmem>>, vector<1x16xf32>,
        %get3A_193 = arith.index_cast %add3A_182 : i32 to index
        %get3A_194 = arith.constant 16 : index
        %get3A_195 = tpu.vector_load %arg9[%get3A_193, %get3A_194] {strides = array<i32>} : memref<400x128xf32, #tpu.memory_space<vmem>>, vector<1x16xf32>,
        %get3A_196 = vector.shape_cast %get3A_195 : vector<1x16xf32> to vector<16xf32>
        %add3A_197 = arith.addf %get3A_196, %get3A_131 : vector<16xf32>
        %swap3A_198 = arith.index_cast %add3A_182 : i32 to index
        %swap3A_199 = arith.constant 16 : index
        %swap3A_200 = tpu.vector_load %arg9[%swap3A_198, %swap3A_199] {strides = array<i32>} : memref<400x128xf32, #tpu.memory_space<vmem>>, vector<1x16xf32>,
        %swap3A_201 = vector.shape_cast %swap3A_200 : vector<1x16xf32> to vector<16xf32>
        %swap3A_202 = vector.shape_cast %add3A_197 : vector<16xf32> to vector<1x16xf32>
        tpu.vector_store %arg9[%swap3A_198, %swap3A_199], %swap3A_202 {strides = array<i32>} : memref<400x128xf32, #tpu.memory_space<vmem>>, vector<1x16xf32>,
        %get3A_203 = arith.index_cast %add3A_182 : i32 to index
        %get3A_204 = arith.constant 32 : index
        %get3A_205 = tpu.vector_load %arg9[%get3A_203, %get3A_204] {strides = array<i32>} : memref<400x128xf32, #tpu.memory_space<vmem>>, vector<1x16xf32>,
        %get3A_206 = vector.shape_cast %get3A_205 : vector<1x16xf32> to vector<16xf32>
        %add3A_207 = arith.addf %get3A_206, %get3A_135 : vector<16xf32>
        %swap3A_208 = arith.index_cast %add3A_182 : i32 to index
        %swap3A_209 = arith.constant 32 : index
        %swap3A_210 = tpu.vector_load %arg9[%swap3A_208, %swap3A_209] {strides = array<i32>} : memref<400x128xf32, #tpu.memory_space<vmem>>, vector<1x16xf32>,
        %swap3A_211 = vector.shape_cast %swap3A_210 : vector<1x16xf32> to vector<16xf32>
        %swap3A_212 = vector.shape_cast %add3A_207 : vector<16xf32> to vector<1x16xf32>
        tpu.vector_store %arg9[%swap3A_208, %swap3A_209], %swap3A_212 {strides = array<i32>} : memref<400x128xf32, #tpu.memory_space<vmem>>, vector<1x16xf32>,
        %get3A_213 = arith.index_cast %add3A_182 : i32 to index
        %get3A_214 = arith.constant 48 : index
        %get3A_215 = tpu.vector_load %arg9[%get3A_213, %get3A_214] {strides = array<i32>} : memref<400x128xf32, #tpu.memory_space<vmem>>, vector<1x16xf32>,
        %get3A_216 = vector.shape_cast %get3A_215 : vector<1x16xf32> to vector<16xf32>
        %add3A_217 = arith.addf %get3A_216, %get3A_139 : vector<16xf32>
        %swap3A_218 = arith.index_cast %add3A_182 : i32 to index
        %swap3A_219 = arith.constant 48 : index
        %swap3A_220 = tpu.vector_load %arg9[%swap3A_218, %swap3A_219] {strides = array<i32>} : memref<400x128xf32, #tpu.memory_space<vmem>>, vector<1x16xf32>,
        %swap3A_221 = vector.shape_cast %swap3A_220 : vector<1x16xf32> to vector<16xf32>
        %swap3A_222 = vector.shape_cast %add3A_217 : vector<16xf32> to vector<1x16xf32>
        tpu.vector_store %arg9[%swap3A_218, %swap3A_219], %swap3A_222 {strides = array<i32>} : memref<400x128xf32, #tpu.memory_space<vmem>>, vector<1x16xf32>,
      }
      %scan3A_113 = arith.constant 200 : i32
      %dma_start3A_114 = arith.constant 0 : i32
      %dma_start3A_115 = arith.constant 0 : i32
      %dma_start3A_116 = tpu.memref_slice %arg9[%dma_start3A_114, %dma_start3A_115] : memref<400x128xf32, #tpu.memory_space<vmem>> -> memref<400x64xf32, #tpu.memory_space<vmem>>
      %dma_start3A_117 = arith.constant 0 : i32
      %dma_start3A_118 = tpu.memref_slice %arg5[%add3A_41, %dma_start3A_117] : memref<819200x128xf32, #tpu.memory_space<hbm>> -> memref<400x64xf32, #tpu.memory_space<hbm>>
      %dma_start3A_119 = arith.constant 0 : i32
      %dma_start3A_120 = tpu.memref_slice %arg5[%add3A_41, %dma_start3A_119] : memref<819200x128xf32, #tpu.memory_space<hbm>> -> memref<400x64xf32, #tpu.memory_space<hbm>>
      %dma_start3A_121 = arith.constant 0 : i32
      %dma_start3A_122 = arith.constant 0 : i32
      %dma_start3A_123 = tpu.memref_slice %arg9[%dma_start3A_121, %dma_start3A_122] : memref<400x128xf32, #tpu.memory_space<vmem>> -> memref<400x64xf32, #tpu.memory_space<vmem>>
      tpu.enqueue_dma source(%dma_start3A_123 : memref<400x64xf32, #tpu.memory_space<vmem>>) target(%dma_start3A_120 : memref<400x64xf32, #tpu.memory_space<hbm>>) target_semaphore(%arg14 : memref<!tpu.dma_semaphore, #tpu.memory_space<semaphore_mem>>)
    }
    %scan3A_14 = arith.constant 32 : i32
    %dma_wait3A = arith.constant 0 : i32
    %dma_wait3A_15 = arith.constant 0 : i32
    %dma_wait3A_16 = tpu.memref_slice %arg8[%dma_wait3A, %dma_wait3A_15] : memref<400x128xf32, #tpu.memory_space<vmem>> -> memref<400x128xf32, #tpu.memory_space<vmem>>
    %dma_wait3A_17 = arith.constant 0 : i32
    %dma_wait3A_18 = tpu.memref_slice %arg6[%dma_wait3A_17] : memref<400xi32, #tpu.memory_space<vmem>> -> memref<400xi32, #tpu.memory_space<vmem>>
    %dma_wait3A_19 = arith.constant 0 : i32
    %dma_wait3A_20 = arith.constant 0 : i32
    %dma_wait3A_21 = tpu.memref_slice %arg3[%dma_wait3A_19, %dma_wait3A_20] : memref<1000000x128xf32, #tpu.memory_space<hbm>> -> memref<1000000x128xf32, #tpu.memory_space<hbm>>
    tpu.wait_indirect_dma semaphore(%arg11 : memref<!tpu.dma_semaphore, #tpu.memory_space<semaphore_mem>>) src(%dma_wait3A_21 : memref<1000000x128xf32, #tpu.memory_space<hbm>>) dst(%dma_wait3A_16 : memref<400x128xf32, #tpu.memory_space<vmem>>)
    %add3A_22 = arith.constant 25200 : i32
    %add3A_23 = arith.addi %mul3A_2, %add3A_22 : i32
    %dma_wait3A_24 = arith.constant 0 : i32
    %dma_wait3A_25 = arith.constant 0 : i32
    %dma_wait3A_26 = tpu.memref_slice %arg9[%dma_wait3A_24, %dma_wait3A_25] : memref<400x128xf32, #tpu.memory_space<vmem>> -> memref<400x64xf32, #tpu.memory_space<vmem>>
    %dma_wait3A_27 = arith.constant 0 : i32
    %dma_wait3A_28 = tpu.memref_slice %arg5[%add3A_23, %dma_wait3A_27] : memref<819200x128xf32, #tpu.memory_space<hbm>> -> memref<400x64xf32, #tpu.memory_space<hbm>>
    %dma_wait3A_29 = arith.constant 0 : i32
    %dma_wait3A_30 = tpu.memref_slice %arg5[%add3A_23, %dma_wait3A_29] : memref<819200x128xf32, #tpu.memory_space<hbm>> -> memref<400x64xf32, #tpu.memory_space<hbm>>
    %dma_wait3A_31 = arith.constant 0 : i32
    %dma_wait3A_32 = arith.constant 0 : i32
    %dma_wait3A_33 = tpu.memref_slice %arg9[%dma_wait3A_31, %dma_wait3A_32] : memref<400x128xf32, #tpu.memory_space<vmem>> -> memref<400x64xf32, #tpu.memory_space<vmem>>
    tpu.wait_dma2 semaphore(%arg14 : memref<!tpu.dma_semaphore, #tpu.memory_space<semaphore_mem>>) src(%dma_wait3A_33 : memref<400x64xf32, #tpu.memory_space<vmem>>) dst(%dma_wait3A_30 : memref<400x64xf32, #tpu.memory_space<hbm>>)
    return
  }
}

</mosaic_0001>

<sc_bundles>
// kernel: kernel.3.cloned.1.call-start
scs
__scs_entry_jumppad:
0x0: {  	(pc) =	sbr.rel $0x88, $3  }
0x1: {  	(tag) =	ssettag $0x0;
	lr =	simm.s32 $0x1  }
0x2: {  	[smem:$0x3F9F] =	sst lr;
	_ =	strace $0xD0000000  }
0x3: {  	_ = 	snop  }
0x4: {  	_ = 	snop  }
0x5: {  	_ = 	snop  }
0x6: {  	_ = 	snop  }
0x7: {  	_ = 	snop  }
__scs_overlays_trampoline_lowered:
0x8: {  	[smem:$0x3FAE] =	sst s0  }
0x9: {  	[smem:$0x3FAF] =	sst s1  }
0xa: {  	[smem:$0x3FB0] =	sst s2  }
0xb: {  	[smem:$0x3FB1] =	sst s3  }
0xc: {  	[smem:$0x3FB2] =	sst s4  }
0xd: {  	[smem:$0x3FB3] =	sst s5  }
0xe: {  	[smem:$0x3FB4] =	sst s6  }
0xf: {  	[smem:$0x3FB5] =	sst s7  }
0x10: {  	[smem:$0x3FB6] =	sst s8  }
0x11: {  	[smem:$0x3FB7] =	sst s9;
	s0 =	simm.s32 @!p0 $0x0  }
0x12: {  	s1 =	sld [smem:$0x3F9D];
	s0 =	simm.s32 @p0 $0x1  }
0x13: {  	[smem:$0x3FB8] =	sst s0;
	s0 =	simm.s32 @!p1 $0x0  }
0x14: {  	s2 =	sld [smem:$0x3F9C];
	s0 =	simm.s32 @p1 $0x1  }
0x15: {  	[smem:$0x3FB9] =	sst s0;
	s0 =	simm.s32 @!p2 $0x0  }
0x16: {  	s3 =	sld [smem:$0x3FDB];
	s0 =	simm.s32 @p2 $0x1  }
0x17: {  	s4 =	simm.s32 $0x1BF5;
	[smem:$0x3FBB] =	sst s0  }
0x18: {  	s0 =	sld [smem:$0x3F9E];
	_ =	swait.ge [sflag:s4], $0x0  }
0x19: {  	s7 =	sld [smem:$0x3F9F]  }
0x1a: {  	s8 =	sadd.s32 $0xFFFFE003, lr  }
0x1b: {  	s9 =	sadd.s32 $0xFFFFFEF7, lr;
	s5 =	simm.s32 $0xFFFFFFFF;
	p2 =	slt.u32 s8, $0xFFFFF086  }
0x1c: {  	p1 =	slt.u32 s9, $0xF7A;
	s5 =	simm.s32 @!p2 $0x0  }
0x1d: {  	s5 =	simm.s32 @p1 $0x1;
	p0 =	seq.s32 s7, s2  }
0x1e: {  	s7 =	smul.u32 @!p0 $0xF7A, s2;
	p2 =	seq.s32 @!p0 s5, $0x0  }
0x1f: {  	s9 =	smul.u32 $0xF7A, s1;
	s8 =	simm.s32 @!p0 $0x1BF5;
	p2 =	por !p2, p0  }
0x20: {  	[sflag:s8] =	ssyncset.s32 @!p0 $0xFFFFF086;
	s6 =	sadd.s32 @!p0 s3, s7;
	s7 =	simm.s32 @!p0 $0x108  }
0x21: {  	s3 =	sadd.s32 s3, s9;
	s6 =	sadd.s32 @!p0 $0x88, s6;
	s7 =	simm.s32 @p2 $0x1082  }
0x22: {  	[simem:s7], [sflag:s8] =	dma.local @!p0 [hbm:s6], $0xF7A  }
0x23: {  	s9 =	sor.u32 $0xD0000000, s2;
	s6 =	simm.s32 $0x108;
	_ =	swait.ge @!p0 [sflag:s8], $0x0  }
0x24: {  	s3 =	sadd.s32 $0x88, s3;
	s6 =	simm.s32 @!p1 $0x1082;
	[sflag:s4] =	ssyncset.s32 $0xFFFFF086  }
0x25: {  	[simem:s6], [sflag:s4] =	dma.local [hbm:s3], $0xF7A  }
0x26: {  	[smem:$0x3F9F] =	sst s1;
	(tag) =	ssettag s2;
	_ =	strace s9  }
0x27: {  	s1 =	sld [smem:$0x3FAF]  }
0x28: {  	s2 =	sld [smem:$0x3FB0]  }
0x29: {  	s4 =	sld [smem:$0x3FB2]  }
0x2a: {  	p0 =	seq.s32 s5, $0x0;
	s5 =	sld [smem:$0x3FB3]  }
0x2b: {  	s6 =	sld [smem:$0x3FB4]  }
0x2c: {  	s7 =	sld [smem:$0x3FB5]  }
0x2d: {  	s3 =	simm.s32 $0x108;
	s8 =	sld [smem:$0x3FB6]  }
0x2e: {  	s3 =	simm.s32 @!p0 $0x1082;
	s9 =	sld [smem:$0x3FB7]  }
0x2f: {  	lr =	sadd.s32 s0, s3;
	s0 =	sld [smem:$0x3FAE]  }
0x30: {  	s3 =	sld [smem:$0x3FB1]  }
0x31: {  	[smem:$0x3FBA] =	sst s10  }
0x32: {  	s10 =	sld [smem:$0x3FB8];
	_ =	sdelay $0x3  }
0x33: {  	p0 =	seq.s32 s10, $0x1;
	s10 =	sld [smem:$0x3FBA];
	_ =	sdelay $0x3  }
0x34: {  	[smem:$0x3FBA] =	sst s10  }
0x35: {  	s10 =	sld [smem:$0x3FB9];
	_ =	sdelay $0x3  }
0x36: {  	p1 =	seq.s32 s10, $0x1;
	s10 =	sld [smem:$0x3FBA];
	_ =	sdelay $0x3  }
0x37: {  	[smem:$0x3FBA] =	sst s10  }
0x38: {  	s10 =	sld [smem:$0x3FBB]  }
0x39: {  	_ = 	snop;
	(pc) =	sbr.ind lr, $3  }
0x3a: {  	_ = 	snop  }
0x3b: {  	_ = 	snop  }
0x3c: {  	p2 =	seq.s32 s10, $0x1;
	s10 =	sld [smem:$0x3FBA]  }
0x3d: {  	_ =	shalt  }
0x3e: {  	_ =	shalt  }
0x3f: {  	_ =	shalt  }
0x40: {  	_ =	shalt  }
0x41: {  	_ =	shalt  }
0x42: {  	_ =	shalt  }
0x43: {  	_ =	shalt  }
0x44: {  	_ =	shalt  }
0x45: {  	_ =	shalt  }
0x46: {  	_ =	shalt  }
0x47: {  	_ =	shalt  }
0x48: {  	_ =	shalt  }
0x49: {  	_ =	shalt  }
0x4a: {  	_ =	shalt  }
0x4b: {  	_ =	shalt  }
0x4c: {  	_ =	shalt  }
0x4d: {  	_ =	shalt  }
0x4e: {  	_ =	shalt  }
0x4f: {  	_ =	shalt  }
0x50: {  	_ =	shalt  }
0x51: {  	_ =	shalt  }
0x52: {  	_ =	shalt  }
0x53: {  	_ =	shalt  }
0x54: {  	_ =	shalt  }
0x55: {  	_ =	shalt  }
0x56: {  	_ =	shalt  }
0x57: {  	_ =	shalt  }
0x58: {  	_ =	shalt  }
0x59: {  	_ =	shalt  }
0x5a: {  	_ =	shalt  }
0x5b: {  	_ =	shalt  }
0x5c: {  	_ =	shalt  }
0x5d: {  	_ =	shalt  }
0x5e: {  	_ =	shalt  }
0x5f: {  	_ =	shalt  }
0x60: {  	_ =	shalt  }
0x61: {  	_ =	shalt  }
0x62: {  	_ =	shalt  }
0x63: {  	_ =	shalt  }
0x64: {  	_ =	shalt  }
0x65: {  	_ =	shalt  }
0x66: {  	_ =	shalt  }
0x67: {  	_ =	shalt  }
0x68: {  	_ =	shalt  }
0x69: {  	_ =	shalt  }
0x6a: {  	_ =	shalt  }
0x6b: {  	_ =	shalt  }
0x6c: {  	_ =	shalt  }
0x6d: {  	_ =	shalt  }
0x6e: {  	_ =	shalt  }
0x6f: {  	_ =	shalt  }
0x70: {  	_ =	shalt  }
0x71: {  	_ =	shalt  }
0x72: {  	_ =	shalt  }
0x73: {  	_ =	shalt  }
0x74: {  	_ =	shalt  }
0x75: {  	_ =	shalt  }
0x76: {  	_ =	shalt  }
0x77: {  	_ =	shalt  }
0x78: {  	_ =	shalt  }
0x79: {  	_ =	shalt  }
0x7a: {  	_ =	shalt  }
0x7b: {  	_ =	shalt  }
0x7c: {  	_ =	shalt  }
0x7d: {  	_ =	shalt  }
0x7e: {  	_ =	shalt  }
0x7f: {  	_ =	shalt  }
0x80: {  	_ =	shalt  }
0x81: {  	_ =	shalt  }
0x82: {  	_ =	shalt  }
0x83: {  	_ =	shalt  }
0x84: {  	_ =	shalt  }
0x85: {  	_ =	shalt  }
0x86: {  	_ =	shalt  }
0x87: {  	_ =	shalt  }
.Lfunc_end0:
.L_simem_size_0:
called_computation.1_lowered:
.L_overlay_start_0:
0x88: {  	s2 =	sld [smem:$0x3FD9]  }
0x89: {  	s3 =	sld [smem:$0x3FFE];
	_ =	sdelay $0x1  }
0x8a: {  	s1 =	srdreg.scid  }
0x8b: {  	s0 =	sand.u32 $0x1, s1  }
0x8c: {  	s17 =	sshll.u32 s0, $0xA;
	s2 =	sadd.s32 s3, s2  }
0x8d: {  	s2 =	sadd.s32 s2, s17  }
0x8e: {  	[smem:$0x3FC6] =	sst s2  }
0x8f: {  	_ = 	snop  }
0x90: {  	s2 =	sld [smem:$0x3FD0];
	(tm) =	ssettm $0x1  }
0x91: {  	s18 =	sld [smem:$0x3FFB];
	_ =	sdelay $0x3  }
0x92: {  	_ =	strace s18  }
0x93: {  	s3 =	sld [smem:$0x3FFC];
	_ =	sdelay $0x3  }
0x94: {  	_ =	strace s3  }
0x95: {  	s3 =	sld [smem:$0x3FFD];
	_ =	sdelay $0x3  }
0x96: {  	_ =	strace s3  }
0x97: {  	_ =	strace $0x8FFFFFFF  }
0x98: {  	s19 =	sld [smem:$0x3FDB];
	_ =	sdelay $0x1  }
0x99: {  	s4 =	simm.s32 $_scs_section_size  }
0x9a: {  	s5 =	simm.s32 $_size__tile_overlayer_lowered;
	s6 =	simm.s32 $_tile_overlayer_lowered  }
0x9b: {  	s22 =	simm.s32 $0x1BFF;
	s21 =	sshll.u32 s6, $0x1;
	s3 =	sadd.s32 s4, s19  }
0x9c: {  	s7 =	simm.s32 $0x0;
	s20 =	sshll.u32 s5, $0x1;
	s5 =	sadd.s32 s21, s3  }
0x9d: {  	[timem:s7], [sflag:s22] =	dma.local [hbm:s5], s20  }
0x9e: {  	_ =	swait.ge [sflag:s22], s20  }
0x9f: {  	s4 =	ssub.s32 $0x0, s20;
	[sflag:s22] =	ssyncset.done $0x0  }
0xa0: {  	[sflag:s22] =	ssyncadd.s32 s4;
	_ =	sdelay $0x1  }
0xa1: {  	s23 =	simm.s32 $0x1B8B  }
0xa2: {  	_ =	swait.ge [sflag:s23], $0x1  }
0xa3: {  	[sflag:s23] =	ssyncset.done $0x0  }
0xa4: {  	s25 =	simm.s32 $0x1B8E;
	s24 =	sld [smem:$0x3FFE];
	[sflag:s23] =	ssyncadd.s32 $0xFFFFFFFF  }
0xa5: {  	s26 =	simm.s32 $execute0_lowered;
	[smem:$0x3FD2] =	sst s25  }
0xa6: {  	s5 =	sshll.u32 s26, $0x1;
	_ =	strace $0x80000046;
	[dreg:$0x1] =	wrdreg $0xFFFFFFFF  }
0xa7: {  	s28 =	simm.s32 $_size_execute0_lowered;
	s3 =	sadd.s32 s3, s5;
	[dreg:$0x0] =	wrdreg $0x0  }
0xa8: {  	s5 =	sshll.u32 s28, $0x1;
	[dreg:$0x2] =	wrdreg s3  }
0xa9: {  	[dreg:$0x3] =	wrdreg s5  }
0xaa: {  	[dreg:$0x4] =	wrdreg $0xC0  }
0xab: {  	_ =	task [dreg:s7], $0x5FFFF  }
0xac: {  	[dreg:$0x1] =	wrdreg $0xFFFFFFFF  }
0xad: {  	[dreg:$0x0] =	wrdreg $0x60  }
0xae: {  	[dreg:$0x2] =	wrdreg s2  }
0xaf: {  	[dreg:$0x3] =	wrdreg s24  }
0xb0: {  	[dreg:$0x4] =	wrdreg $0x9  }
0xb1: {  	_ =	task.clear_ibuf [dreg:s7], $0x5FFFF;
	_ =	strace $0x90000046  }
0xb2: {  	s29 =	simm.s32 $0x9;
	_ =	strace $0x80000048  }
0xb3: {  	_ =	swait.ge [sflag:s29], $0x1  }
0xb4: {  	[sflag:s29] =	ssyncadd.s32 $0xFFFFFFFF  }
0xb5: {  	_ =	strace $0x90000048  }
0xb6: {  	_ =	sfence  }
0xb7: {  	s30 =	sld [smem:$0x0];
	_ =	sdelay $0x2  }
0xb8: {  	s31 =	sshll.u32 s1, $0xD;
	s1 =	sshrl.u32 s1, $0x2  }
0xb9: {  	s3 =	sand.u32 $0x4000, s31;
	s1 =	sadd.s32 s1, s30  }
0xba: {  	s0 =	sor.u32 s3, s0;
	s1 =	sshll.u32 s1, $0x11  }
0xbb: {  	s0 =	sor.u32 s1, s0  }
0xbc: {  	s0 =	sadd.s32 $0x8F2B, s0  }
0xbd: {  	[sflag:s0] =	ssyncadd.remote.s32 $0x1  }
0xbe: {  	_ =	sfence.sel $0xFFFF  }
0xbf: {  	[dreg:$0x0] =	wrdreg $0xFFFFFFFF;
	(pc) =	sbr.abs _section_cstart, $3  }
0xc0: {  	[dreg:$0x1] =	wrdreg $0xFFFFFFFF  }
0xc1: {  	_ =	task.clear_ibuf [dreg:s7], $0x2FFFF;
	_ =	strace $0x9FFFFFFF  }
0xc2: {  	(tm) =	ssettm $0x7FFFFFFF  }
0xc3: {  	_ =	shalt  }
tec
execute0_lowered:
.L_overlay_start_1:
0x0: {  	(tag) =	ssettag $0x1  }
0x1: {  	s0 =	srdreg.scid;
	s2 =	rddreg [dreg:$0x0]  }
0x2: {  	s7 =	rddreg [dreg:$0x1];
	s1 =	stileid.u32;
	s3 =	simm.s32 $0x0  }
0x3: {  	s12 =	simm.s32 $0x5;
	s13 =	simm.s32 $0x190;
	s14 =	simm.s32 $0x320  }
0x4: {  	s15 =	simm.s32 $0xCB20;
	s16 =	simm.s32 $0x1;
	s17 =	simm.s32 $0x3  }
0x5: {  	s18 =	simm.s32 $0x2;
	s19 =	simm.s32 $0x4;
	s6 =	sand.u32 $0x1, s0  }
0x6: {  	s20 =	simm.s32 $0x0;
	s0 =	rddreg [dreg:$0x2];
	s4 =	sshll.u32 s6, $0x4  }
0x7: {  	[smem:$0x7FF] =	sst s3;
	s5 =	sadd.s32 $0xF43800, s7;
	s4 =	sor.u32 s1, s4  }
0x8: {  	_ =	strace $0x80000047;
	s8 =	ssub.s32 $0x2, s6;
	s4 =	smul.u32 $0x6400, s4  }
0x9: {  	s6 =	sadd.s32 $0xF43000, s7;
	s7 =	sadd.s32 $0xC00, s7;
	s9 =	sshrl.u32 s8, $0x1  }
0xa: {  	s11 =	ssub.s32 s8, s9;
	s10 =	sshrl.u32 s4, $0x3;
	s9 =	sor.u32 $0x320, s4  }
0xb: {  	s8 =	sadd.s32 s2, s10;
	s10 =	smax.u32 s11, $0x1;
	s11 =	simm.s32 $0x19320  }
.LBB2_1:
0xc: {  	[tilespmem:s11], [sflag:$0x5] =	stream.linear.gather [hbm4b:s6+s3], $0x3200, $0x38;
	[tilespmem:$0x1C520] =	vst v63  }
0xd: {  	_ =	swait.ge [sflag:s12], $0x3200  }
0xe: {  	[sflag:s12] =	ssyncset.done $0x0  }
0xf: {  	[sflag:s12] =	ssyncadd.s32 $0xFFFFCE00  }
0x10: {  	[tilespmem:s3], [sflag:$0x5] =	stream.linear.gather [hbm4b:s8+s3], $0x190, $0x38;
	[tilespmem:$0x1C520] =	vst v63  }
0x11: {  	_ =	swait.ge [sflag:s12], $0x190  }
0x12: {  	[sflag:s12] =	ssyncset.done $0x0  }
0x13: {  	s21 =	simm.s32 $0x0;
	[sflag:s12] =	ssyncadd.s32 $0xFFFFFE70  }
0x14: {  	[tilespmem:s14], [sflag:$0x1] =	stream.indirect.gather [hbm4b:s5+s13], $0x80, s3, s13, $0xb8;
	[tilespmem:$0x1C520] =	vst v63  }
.LBB2_2:
0x15: {  	s22 =	smul.u32 $0x320, s21  }
0x16: {  	p0 =	seq.s32 s21, $0x0  }
0x17: {  	s23 =	simm.s32 @!p0 $0x4;
	s24 =	sadd.s32 s4, s22  }
0x18: {  	_ =	swait.ge @!p0 [sflag:s23], $0x6400;
	s22 =	sadd.s32 $0x190, s24  }
0x19: {  	[sflag:s23] =	ssyncset.done @!p0 $0x0;
	s25 =	sshrl.u32 s22, $0x3  }
0x1a: {  	s31 =	simm.s32 $0x0;
	[sflag:s23] =	ssyncadd.s32 @!p0 $0xFFFF9C00;
	s30 =	sadd.s32 s2, s25  }
0x1b: {  	[tilespmem:s13], [sflag:$0x5] =	stream.linear.gather [hbm4b:s30+s31], $0x190, $0x38;
	[tilespmem:$0x1C520] =	vst v63  }
0x1c: {  	_ =	swait.ge [sflag:s12], $0x190  }
0x1d: {  	[sflag:s12] =	ssyncset.done $0x0  }
0x1e: {  	[sflag:s12] =	ssyncadd.s32 $0xFFFFFE70  }
0x1f: {  	[tilespmem:s15], [sflag:$0x2] =	stream.indirect.gather [hbm4b:s5+s13], $0x80, s13, s13, $0xb8;
	[tilespmem:$0x1C520] =	vst v63  }
0x20: {  	_ =	swait.ge [sflag:s16], $0xC800  }
0x21: {  	[sflag:s16] =	ssyncset.done $0x0  }
0x22: {  	s25 =	simm.s32 $0x0;
	[sflag:s16] =	ssyncadd.s32 $0xFFFF3800  }
0x23: {  	v3 =	vld [tilespmem:s25+$0x350]  }
0x24: {  	v0 =	vld [tilespmem:s25+$0x6720]  }
0x25: {  	v4 =	vld [tilespmem:s25+$0x6750]  }
0x26: {  	v1 =	vld [tilespmem:s25+$0x6730]  }
0x27: {  	s26 =	simm.s32 $0x19340;
	v2 =	vld [tilespmem:s25+$0x340]  }
0x28: {  	s28 =	simm.s32 $0x200;
	s29 =	simm.s32 $0x19340;
	s23 =	sshll.u32 s21, $0x1;
	v5 =	vld [tilespmem:s25+$0x320]  }
.LBB2_3:
0x29: {  	p0 =	sne.s32 s28, $0x18E00  }
0x2a: {  	v6 =	vld [tilespmem:s26+$0x10];
	s29 =	sadd.s32 $0x40, s29;
	s30 =	smov.u32 s28;
	s28 =	sadd.s32 $0x200, s28  }
0x2b: {  	v7 =	vld [tilespmem:s25+$0x330]  }
0x2c: {  	v8 =	vld [tilespmem:s26+$0xFFFFFFE0]  }
0x2d: {  	v9 =	vld [tilespmem:s26+$0xFFFFFFF0]  }
0x2e: {  	v10 =	vld [tilespmem:s26+$0x0];
	s26 =	smov.u32 s29  }
0x2f: {  	v3 =	vadd.f32 v3, v6;
	v11 =	vld [tilespmem:s25+$0x6740];
	v4 =	vadd.f32 v4, v6;
	_ =	sdelay $0x1  }
0x30: {  	s30 =	sshra.s32 s30, $0x2;
	v5 =	vadd.f32 v5, v8;
	v0 =	vadd.f32 v0, v8;
	[tilespmem:s25+$0x6750] =	vst v4  }
0x31: {  	[tilespmem:s25+$0x350] =	vst v3;
	v1 =	vadd.f32 v1, v9  }
0x32: {  	v6 =	vadd.f32 v7, v9;
	v3 =	vld [tilespmem:s30+$0x350];
	v2 =	vadd.f32 v2, v10;
	[tilespmem:s25+$0x6720] =	vst v0  }
.Ltmp0:
0x33: {  	v0 =	vld [tilespmem:s30+$0x6720];
	[tilespmem:s25+$0x6730] =	vst v1;
	v7 =	vadd.f32 v11, v10;
	(pc) =	sbr.rel @p0 .LBB2_3-.Ltmp0, $4  }
0x34: {  	v4 =	vld [tilespmem:s30+$0x6750];
	[tilespmem:s25+$0x340] =	vst v2  }
0x35: {  	v1 =	vld [tilespmem:s30+$0x6730];
	[tilespmem:s25+$0x320] =	vst v5  }
0x36: {  	v2 =	vld [tilespmem:s30+$0x340];
	[tilespmem:s25+$0x6740] =	vst v7  }
0x37: {  	v5 =	vld [tilespmem:s30+$0x320];
	[tilespmem:s25+$0x330] =	vst v6;
	s25 =	smov.u32 s30  }
0x38: {  	v6 =	vld [tilespmem:s26+$0x10];
	_ =	sdelay $0x1  }
0x39: {  	v7 =	vld [tilespmem:s26+$0xFFFFFFE0]  }
0x3a: {  	v8 =	vld [tilespmem:s26+$0xFFFFFFF0]  }
0x3b: {  	v9 =	vld [tilespmem:s26+$0x0]  }
0x3c: {  	v4 =	vadd.f32 v4, v6  }
0x3d: {  	v60 =	vld [tilespmem:s25+$0x6740];
	v3 =	vadd.f32 v3, v6  }
0x3e: {  	v10 =	vld [tilespmem:s25+$0x330];
	v0 =	vadd.f32 v0, v7;
	[tilespmem:s25+$0x6750] =	vst v4  }
0x3f: {  	v1 =	vadd.f32 v1, v8;
	[tilespmem:s25+$0x350] =	vst v3  }
0x40: {  	v2 =	vadd.f32 v2, v9;
	[tilespmem:s25+$0x6720] =	vst v0  }
0x41: {  	v61 =	vadd.f32 v5, v7;
	[tilespmem:s25+$0x6730] =	vst v1  }
0x42: {  	v62 =	vadd.f32 v60, v9;
	[tilespmem:s25+$0x340] =	vst v2  }
0x43: {  	s24 =	sshll.u32 s24, $0x4;
	v63 =	vadd.f32 v10, v8;
	[tilespmem:s25+$0x320] =	vst v61  }
0x44: {  	s28 =	simm.s32 $0x3A0;
	s26 =	sadd.s32 s7, s24;
	[tilespmem:s25+$0x6740] =	vst v62  }
0x45: {  	s24 =	simm.s32 $0x320;
	s29 =	sadd.s32 $0x0, s26;
	[tilespmem:s25+$0x330] =	vst v63;
	s25 =	simm.s32 $0x10  }
.LBB2_5:
0x46: {  	[hbm4b:s29+s3] =	stream.linear.scatter [tilespmem:s24], [sflag:$0x3], $0x40, $0x38;
	[tilespmem:$0x1C520] =	vst v63  }
0x47: {  	s29 =	smov.u32 s25;
	s24 =	smov.u32 s28;
	p0 =	sne.s32 s25, $0x18F0  }
.Ltmp1:
0x48: {  	s25 =	sadd.s32 $0x10, s25;
	(pc) =	sbr.rel @p0 .LBB2_5-.Ltmp1, $2  }
0x49: {  	_ =	sdelay $0x2  }
0x4a: {  	s28 =	sadd.s32 $0x80, s28;
	s29 =	sadd.s32 s29, s26  }
0x4b: {  	s23 =	smin.u32 s23, $0x3D  }
0x4c: {  	s23 =	smul.u32 $0x190, s23  }
0x4d: {  	[hbm4b:s29+s3] =	stream.linear.scatter [tilespmem:s24], [sflag:$0x3], $0x40, $0x38;
	[tilespmem:$0x1C520] =	vst v63  }
0x4e: {  	s23 =	sadd.s32 s23, s9  }
0x4f: {  	s23 =	sshrl.u32 s23, $0x3  }
0x50: {  	s31 =	simm.s32 $0x0;
	s23 =	sadd.s32 s2, s23  }
0x51: {  	[tilespmem:s31], [sflag:$0x5] =	stream.linear.gather [hbm4b:s23+s31], $0x190, $0x38;
	[tilespmem:$0x1C520] =	vst v63  }
0x52: {  	_ =	swait.ge [sflag:s12], $0x190  }
0x53: {  	[sflag:s12] =	ssyncset.done $0x0  }
0x54: {  	[sflag:s12] =	ssyncadd.s32 $0xFFFFFE70  }
0x55: {  	_ =	swait.ge [sflag:s17], $0x6400  }
0x56: {  	[sflag:s17] =	ssyncset.done $0x0  }
0x57: {  	[sflag:s17] =	ssyncadd.s32 $0xFFFF9C00  }
0x58: {  	[tilespmem:s14], [sflag:$0x1] =	stream.indirect.gather [hbm4b:s5+s13], $0x80, s31, s13, $0xb8;
	[tilespmem:$0x1C520] =	vst v63  }
0x59: {  	_ =	swait.ge [sflag:s18], $0xC800  }
0x5a: {  	[sflag:s18] =	ssyncset.done $0x0  }
0x5b: {  	s23 =	simm.s32 $0x0;
	[sflag:s18] =	ssyncadd.s32 $0xFFFF3800  }
0x5c: {  	v3 =	vld [tilespmem:s23+$0xCB50]  }
0x5d: {  	v0 =	vld [tilespmem:s23+$0x12F20]  }
0x5e: {  	v4 =	vld [tilespmem:s23+$0x12F50]  }
0x5f: {  	v2 =	vld [tilespmem:s23+$0x12F30]  }
0x60: {  	v1 =	vld [tilespmem:s23+$0xCB40]  }
0x61: {  	s24 =	simm.s32 $0x19340;
	s25 =	simm.s32 $0x200;
	s26 =	simm.s32 $0x19340;
	v5 =	vld [tilespmem:s23+$0xCB20]  }
.LBB2_7:
0x62: {  	p0 =	sne.s32 s25, $0x18E00  }
0x63: {  	v6 =	vld [tilespmem:s24+$0x10];
	s26 =	sadd.s32 $0x40, s26;
	s28 =	smov.u32 s25;
	s25 =	sadd.s32 $0x200, s25  }
0x64: {  	v7 =	vld [tilespmem:s23+$0xCB30]  }
0x65: {  	v8 =	vld [tilespmem:s24+$0xFFFFFFE0]  }
0x66: {  	v9 =	vld [tilespmem:s24+$0xFFFFFFF0]  }
0x67: {  	v10 =	vld [tilespmem:s24+$0x0];
	s24 =	smov.u32 s26  }
0x68: {  	v3 =	vadd.f32 v3, v6;
	v11 =	vld [tilespmem:s23+$0x12F40];
	v4 =	vadd.f32 v4, v6;
	_ =	sdelay $0x1  }
0x69: {  	s28 =	sshra.s32 s28, $0x2;
	v5 =	vadd.f32 v5, v8;
	v0 =	vadd.f32 v0, v8;
	[tilespmem:s23+$0x12F50] =	vst v4  }
0x6a: {  	[tilespmem:s23+$0xCB50] =	vst v3;
	v2 =	vadd.f32 v2, v9  }
0x6b: {  	v6 =	vadd.f32 v7, v9;
	v3 =	vld [tilespmem:s28+$0xCB50];
	v1 =	vadd.f32 v1, v10;
	[tilespmem:s23+$0x12F20] =	vst v0  }
.Ltmp2:
0x6c: {  	v0 =	vld [tilespmem:s28+$0x12F20];
	[tilespmem:s23+$0x12F30] =	vst v2;
	v7 =	vadd.f32 v11, v10;
	(pc) =	sbr.rel @p0 .LBB2_7-.Ltmp2, $4  }
0x6d: {  	v4 =	vld [tilespmem:s28+$0x12F50];
	[tilespmem:s23+$0xCB40] =	vst v1  }
0x6e: {  	v2 =	vld [tilespmem:s28+$0x12F30];
	[tilespmem:s23+$0xCB20] =	vst v5  }
0x6f: {  	v1 =	vld [tilespmem:s28+$0xCB40];
	[tilespmem:s23+$0x12F40] =	vst v7  }
0x70: {  	v5 =	vld [tilespmem:s28+$0xCB20];
	[tilespmem:s23+$0xCB30] =	vst v6;
	s23 =	smov.u32 s28  }
0x71: {  	v6 =	vld [tilespmem:s24+$0x10];
	_ =	sdelay $0x1  }
0x72: {  	v7 =	vld [tilespmem:s24+$0xFFFFFFE0]  }
0x73: {  	v8 =	vld [tilespmem:s24+$0xFFFFFFF0]  }
0x74: {  	v9 =	vld [tilespmem:s24+$0x0]  }
0x75: {  	v4 =	vadd.f32 v4, v6  }
0x76: {  	v60 =	vld [tilespmem:s23+$0x12F40];
	v3 =	vadd.f32 v3, v6  }
0x77: {  	v10 =	vld [tilespmem:s23+$0xCB30];
	v0 =	vadd.f32 v0, v7;
	[tilespmem:s23+$0x12F50] =	vst v4  }
0x78: {  	v2 =	vadd.f32 v2, v8;
	[tilespmem:s23+$0xCB50] =	vst v3  }
0x79: {  	v1 =	vadd.f32 v1, v9;
	[tilespmem:s23+$0x12F20] =	vst v0  }
0x7a: {  	v61 =	vadd.f32 v5, v7;
	[tilespmem:s23+$0x12F30] =	vst v2  }
0x7b: {  	s22 =	sshll.u32 s22, $0x4;
	v62 =	vadd.f32 v60, v9;
	[tilespmem:s23+$0xCB40] =	vst v1  }
0x7c: {  	s22 =	sand.u32 $0x1FFFFF00, s22;
	v63 =	vadd.f32 v10, v8;
	[tilespmem:s23+$0xCB20] =	vst v61  }
0x7d: {  	s24 =	simm.s32 $0xCB20;
	s22 =	sadd.s32 s7, s22;
	[tilespmem:s23+$0x12F40] =	vst v62  }
0x7e: {  	s25 =	simm.s32 $0xCBA0;
	s26 =	sadd.s32 $0x0, s22;
	[tilespmem:s23+$0xCB30] =	vst v63;
	s23 =	simm.s32 $0x10  }
.LBB2_9:
0x7f: {  	[hbm4b:s26+s3] =	stream.linear.scatter [tilespmem:s24], [sflag:$0x4], $0x40, $0x38;
	[tilespmem:$0x1C520] =	vst v63  }
0x80: {  	s26 =	smov.u32 s23;
	s24 =	smov.u32 s25;
	p0 =	sne.s32 s23, $0x18F0  }
.Ltmp3:
0x81: {  	s23 =	sadd.s32 $0x10, s23;
	(pc) =	sbr.rel @p0 .LBB2_9-.Ltmp3, $2  }
0x82: {  	_ =	sdelay $0x2  }
0x83: {  	s25 =	sadd.s32 $0x80, s25;
	s26 =	sadd.s32 s26, s22  }
0x84: {  	s21 =	sadd.s32 $0x1, s21  }
0x85: {  	p0 =	sne.s32 s21, $0x20  }
.Ltmp4:
0x86: {  	_ = 	snop;
	(pc) =	sbr.rel @p0 .LBB2_2-.Ltmp4, $2  }
0x87: {  	_ =	sdelay $0x2  }
0x88: {  	[hbm4b:s26+s3] =	stream.linear.scatter [tilespmem:s24], [sflag:$0x4], $0x40, $0x38;
	[tilespmem:$0x1C520] =	vst v63  }
0x89: {  	s20 =	sadd.s32 $0x1, s20  }
0x8a: {  	_ =	swait.ge [sflag:s16], $0xC800;
	p0 =	sne.s32 s20, s10  }
.Ltmp5:
0x8b: {  	[sflag:s16] =	ssyncset.done $0x0;
	(pc) =	sbr.rel @p0 .LBB2_1-.Ltmp5, $4  }
0x8c: {  	[sflag:s16] =	ssyncadd.s32 $0xFFFF3800  }
0x8d: {  	_ =	swait.ge [sflag:s19], $0x6400  }
0x8e: {  	[sflag:s19] =	ssyncset.done $0x0  }
0x8f: {  	[sflag:s19] =	ssyncadd.s32 $0xFFFF9C00  }
0x90: {  	_ =	sfence.sel $0x180000  }
0x91: {  	[bflag:$0x0] =	sbarrier.arrive $0xFFFF  }
0x92: {  	p0 =	sne.s32 s1, $0x0;
	_ =	strace $0x90000047  }
0x93: {  	s0 =	sadd.s32 @!p0 $0x100000, s0;
	[bflag:$0x2] =	sbarrier.arrive $0xFFFF  }
0x94: {  	[sflag:s0] =	ssyncadd.tile.s32 @!p0 $0x1;
	_ =	shalt  }
.Lfunc_end2:
_tile_overlayer_lowered:
.L_overlay_start_2:
0x95: {  	(tag) =	ssettag $0x2  }
0x96: {  	s0 =	rddreg [dreg:$0x0];
	s2 =	stileid.u32  }
0x97: {  	s1 =	rddreg [dreg:$0x1];
	p0 =	sne.s32 s2, $0x0  }
0x98: {  	s3 =	rddreg [dreg:$0x2];
	[bflag:$0x3] =	sbarrier.arrive $0xFFFF;
	s2 =	simm.s32 @!p0 $0x1C05  }
0x99: {  	[timem:s3], [sflag:s2] =	dma.local @!p0 [hbm:s0], s1  }
0x9a: {  	s0 =	simm.s32 @!p0 $0x5  }
0x9b: {  	_ =	swait.ge @!p0 [sflag:s0], s1  }
0x9c: {  	s1 =	ssub.s32 @!p0 $0x0, s1;
	[sflag:s0] =	ssyncset.done @!p0 $0x0  }
0x9d: {  	[sflag:s0] =	ssyncadd.s32 @!p0 s1  }
0x9e: {  	[bflag:$0x3] =	sbarrier.arrive $0xFFFF  }
0x9f: {  	_ =	shalt  }

// kernel: sparse-core-data-format-call.cloned.1.call-start
scs
called_computation_lowered:
.L_overlay_start_0:
0x0: {  	s2 =	sld [smem:$0x3FD9]  }
0x1: {  	s3 =	sld [smem:$0x3FFE];
	_ =	sdelay $0x1  }
0x2: {  	s1 =	srdreg.scid  }
0x3: {  	s0 =	sand.u32 $0x1, s1  }
0x4: {  	s18 =	sshll.u32 s0, $0xA;
	s2 =	sadd.s32 s3, s2  }
0x5: {  	s2 =	sadd.s32 s2, s18  }
0x6: {  	[smem:$0x3FC6] =	sst s2  }
0x7: {  	_ = 	snop  }
0x8: {  	s2 =	sld [smem:$0x3FD0];
	(tm) =	ssettm $0x1  }
0x9: {  	s19 =	sld [smem:$0x3FFB];
	_ =	sdelay $0x3  }
0xa: {  	_ =	strace s19  }
0xb: {  	s3 =	sld [smem:$0x3FFC];
	_ =	sdelay $0x3  }
0xc: {  	_ =	strace s3  }
0xd: {  	s3 =	sld [smem:$0x3FFD];
	_ =	sdelay $0x3  }
0xe: {  	_ =	strace s3  }
0xf: {  	_ =	strace $0x8FFFFFFF  }
0x10: {  	s20 =	sld [smem:$0x3FDB];
	_ =	sdelay $0x1  }
0x11: {  	s4 =	simm.s32 $_scs_section_size  }
0x12: {  	s5 =	simm.s32 $_size__tile_overlayer_lowered;
	s6 =	simm.s32 $_tile_overlayer_lowered  }
0x13: {  	s23 =	simm.s32 $0x1BFF;
	s22 =	sshll.u32 s6, $0x1;
	s3 =	sadd.s32 s4, s20  }
0x14: {  	s7 =	simm.s32 $0x0;
	s21 =	sshll.u32 s5, $0x1;
	s5 =	sadd.s32 s22, s3  }
0x15: {  	[timem:s7], [sflag:s23] =	dma.local [hbm:s5], s21  }
0x16: {  	_ =	swait.ge [sflag:s23], s21  }
0x17: {  	s4 =	ssub.s32 $0x0, s21;
	[sflag:s23] =	ssyncset.done $0x0  }
0x18: {  	[sflag:s23] =	ssyncadd.s32 s4;
	_ =	sdelay $0x1  }
0x19: {  	s24 =	simm.s32 $0x1B8B  }
0x1a: {  	_ =	swait.ge [sflag:s24], $0x1  }
0x1b: {  	[sflag:s24] =	ssyncset.done $0x0  }
0x1c: {  	s26 =	simm.s32 $0x1B8E;
	s25 =	sld [smem:$0x3FFE];
	[sflag:s24] =	ssyncadd.s32 $0xFFFFFFFF  }
0x1d: {  	s27 =	simm.s32 $execute0_lowered;
	[smem:$0x3FD2] =	sst s26  }
0x1e: {  	s5 =	sshll.u32 s27, $0x1;
	_ =	strace $0x80000049;
	[dreg:$0x1] =	wrdreg $0xFFFFFFFF  }
0x1f: {  	s28 =	simm.s32 $_size_execute0_lowered;
	s3 =	sadd.s32 s3, s5;
	[dreg:$0x0] =	wrdreg $0x0  }
0x20: {  	s5 =	sshll.u32 s28, $0x1;
	[dreg:$0x2] =	wrdreg s3  }
0x21: {  	[dreg:$0x3] =	wrdreg s5  }
0x22: {  	[dreg:$0x4] =	wrdreg $0xC0  }
0x23: {  	_ =	task [dreg:s7], $0x5FFFF  }
0x24: {  	[dreg:$0x1] =	wrdreg $0xFFFFFFFF  }
0x25: {  	[dreg:$0x0] =	wrdreg $0x60  }
0x26: {  	[dreg:$0x2] =	wrdreg s25  }
0x27: {  	[dreg:$0x3] =	wrdreg s2  }
0x28: {  	[dreg:$0x4] =	wrdreg $0x9  }
0x29: {  	_ =	task.clear_ibuf [dreg:s7], $0x5FFFF;
	_ =	strace $0x90000049  }
0x2a: {  	s29 =	simm.s32 $0x9;
	_ =	strace $0x8000004B  }
0x2b: {  	_ =	swait.ge [sflag:s29], $0x1  }
0x2c: {  	[sflag:s29] =	ssyncadd.s32 $0xFFFFFFFF  }
0x2d: {  	_ =	strace $0x9000004B  }
0x2e: {  	_ =	sfence  }
0x2f: {  	s30 =	sld [smem:$0x0];
	_ =	sdelay $0x2  }
0x30: {  	s31 =	sshll.u32 s1, $0xD;
	s1 =	sshrl.u32 s1, $0x2  }
0x31: {  	s3 =	sand.u32 $0x4000, s31;
	s1 =	sadd.s32 s1, s30  }
0x32: {  	s0 =	sor.u32 s3, s0;
	s1 =	sshll.u32 s1, $0x11  }
0x33: {  	s0 =	sor.u32 s1, s0  }
0x34: {  	s0 =	sadd.s32 $0x8F2B, s0  }
0x35: {  	[sflag:s0] =	ssyncadd.remote.s32 $0x1  }
0x36: {  	_ =	sfence.sel $0xFFFF  }
0x37: {  	[dreg:$0x0] =	wrdreg $0xFFFFFFFF;
	(pc) =	sbr.abs _section_cstart, $3  }
0x38: {  	[dreg:$0x1] =	wrdreg $0xFFFFFFFF  }
0x39: {  	_ =	task.clear_ibuf [dreg:s7], $0x2FFFF;
	_ =	strace $0x9FFFFFFF  }
0x3a: {  	(tm) =	ssettm $0x7FFFFFFF  }
0x3b: {  	_ =	shalt  }
tec
execute0_lowered:
.L_overlay_start_1:
0x0: {  	(tag) =	ssettag $0x1  }
0x1: {  	s0 =	srdreg.scid  }
0x2: {  	s1 =	sshll.u32 s0, $0x4  }
0x3: {  	s0 =	stileid.u32;
	s1 =	sand.u32 $0x10, s1  }
0x4: {  	s1 =	sor.u32 s0, s1  }
0x5: {  	s6 =	rddreg [dreg:$0x0];
	s4 =	simm.s32 $0x1;
	s2 =	sshll.u32 s1, $0x7  }
0x6: {  	s7 =	simm.s32 $0x2;
	s12 =	simm.s32 $0x0;
	s1 =	ssub.s32 $0x1000, s2  }
0x7: {  	s8 =	simm.s32 $0x8000;
	s13 =	simm.s32 $0x0;
	s3 =	sand.u32 $0xF80, s1  }
0x8: {  	s9 =	simm.s32 $0x0;
	s5 =	sshrl.u32 s1, $0xC;
	p0 =	sne.s32 s3, $0x0  }
.Ltmp0:
0x9: {  	s1 =	rddreg [dreg:$0x2];
	s4 =	simm.s32 @!p0 $0x0;
	(pc) =	sbr.rel .LBB1_1-.Ltmp0, $4  }
0xa: {  	s11 =	simm.s32 $0x0;
	s3 =	rddreg [dreg:$0x1];
	s5 =	sadd.s32 s4, s5  }
0xb: {  	_ =	strace $0x8000004A;
	s4 =	simm.s32 $0x1;
	s5 =	smul.u32 $0xC8, s5  }
0xc: {  	s6 =	sadd.s32 $0xC00, s6;
	s10 =	smov.u32 s2;
	[sflag:s4] =	ssyncpa.u1 $0x0  }
0xd: {  	p0 =	por $0x0, $0x0;
	[sflag:s7] =	ssyncpa.u1 $0x0;
	s7 =	sor.u32 $0x1, s5  }
.LBB1_4:
0xe: {  	s16 =	sshll.u32 s13, $0x3;
	s17 =	sand.u32 $0x78, s13  }
0xf: {  	s30 =	sand.u32 $0x7E00, s13;
	s12 =	sshll.u32 s12, $0xF;
	s16 =	sand.u32 $0xC00, s16  }
0x10: {  	[tilespmem:s15+$0x810 ss:$0x81] =	vst.msk $0xffff, v2;
	s31 =	sand.u32 $0x7, s13;
	s16 =	sor.u32 s17, s16;
	s17 =	sadd.s32 s3, s30  }
0x11: {  	[tilespmem:s15+$0x1020 ss:$0x81] =	vst.msk $0xffff, v0;
	s13 =	sshll.u32 s31, $0x12;
	s12 =	sadd.s32 s12, s17;
	s16 =	sshrl.u32 s16, $0x3  }
0x12: {  	[tilespmem:s15+$0x0 ss:$0x81] =	vst.msk $0xffff, v1;
	s13 =	sor.u32 $0x400, s13;
	s12 =	sadd.s32 s16, s12  }
0x13: {  	[hbm4b:s12+s13] =	stream.strided.scatter [tilespmem:s14], [sflag:$0x2], $0x2000, s8, s13, $0x20;
	[tilespmem:$0x8080] =	vst v63  }
.LBB1_5:
0x14: {  	s14 =	sadd.s32 $0x1, s9  }
0x15: {  	s12 =	sadd.s32 $0x1000, s10;
	s16 =	smov.u32 s10;
	p2 =	sgt.s32 s14, $0xC7  }
0x16: {  	s16 =	smov.u32 @p2 s12  }
0x17: {  	s14 =	simm.s32 @p2 $0x0;
	p2 =	sgt.s32 s16, $0xFFF  }
0x18: {  	s16 =	smov.u32 @p2 s2;
	p2 =	sne.s32 s11, s7  }
.Ltmp1:
0x19: {  	p1 =	slt.u32 s11, $0x2;
	(pc) =	sbr.rel @!p2 .LBB1_6-.Ltmp1, $4  }
0x1a: {  	s15 =	simm.s32 @!p1 $0x2  }
0x1b: {  	s13 =	smov.u32 s10;
	p0 =	por !p0, !p0;
	_ =	swait.ge @!p1 [sflag:s15], $0x2000  }
0x1c: {  	s12 =	smov.u32 s9;
	[sflag:s15] =	ssyncset.done @!p1 $0x0;
	s9 =	smov.u32 s14  }
0x1d: {  	s11 =	sadd.s32 $0x1, s11;
	[sflag:s15] =	ssyncadd.s32 @!p1 $0xFFFFE000;
	s10 =	smov.u32 s16  }
.LBB1_1:
0x1e: {  	p1 =	sge.u32 s11, s5  }
0x1f: {  	s14 =	sand.u32 @!p1 $0x1FFFFFF, s9  }
0x20: {  	s15 =	smulhi.u32 @!p1 $0x147AE15, s14;
	_ =	sdelay $0x1  }
0x21: {  	s15 =	smul.u32 @!p1 $0xC8, s15  }
0x22: {  	s16 =	sxor.u32 @!p1 $0xFFFFFFFF, s11;
	s17 =	smul.u32 @!p1 $0xC80, s10  }
0x23: {  	s31 =	sadd.s32 $0xFFFFFFFF, s11;
	s16 =	sshll.u32 @!p1 s16, $0xD;
	s14 =	ssub.s32 @!p1 s14, s15  }
0x24: {  	s15 =	sand.u32 @!p1 $0x2000, s16;
	s16 =	sadd.s32 @!p1 s6, s17;
	s14 =	sshll.u32 @!p1 s14, $0x4  }
0x25: {  	s17 =	simm.s32 @!p1 $0x6400;
	s14 =	sadd.s32 @!p1 s14, s16;
	s16 =	simm.s32 @!p1 $0x40  }
0x26: {  	[tilespmem:s15], [sflag:$0x1] =	stream.strided.gather @!p1 [hbm4b:s14+s16], $0x2000, s17, s16, $0x38;
	[tilespmem:$0x8080] =	vst v63  }
0x27: {  	p1 =	sge.u32 s31, s5  }
.Ltmp2:
0x28: {  	_ = 	snop;
	(pc) =	sbr.rel @p1 .LBB1_5-.Ltmp2, $1  }
0x29: {  	_ =	sdelay $0x3  }
0x2a: {  	s14 =	simm.s32 $0x1  }
0x2b: {  	_ =	swait.ge [sflag:s4], $0x2000;
	s14 =	simm.s32 @!p0 $0x0  }
0x2c: {  	[sflag:s4] =	ssyncset.done $0x0;
	s15 =	sshll.u32 s14, $0xD  }
0x2d: {  	[sflag:s4] =	ssyncadd.s32 $0xFFFFE000;
	s18 =	sor.u32 $0x20, s15  }
0x2e: {  	s14 =	smul.u32 $0x8100, s14;
	v3 =	vld [tilespmem:s18+$0x10]  }
0x2f: {  	s30 =	sand.u32 $0x1, s11;
	v2 =	vld [tilespmem:s18+$0xFFFFFFF0]  }
0x30: {  	s15 =	smul.u32 $0x8100, s30;
	s14 =	sshrl.u32 s14, $0x2;
	v0 =	vld [tilespmem:s18+$0x0]  }
0x31: {  	v1 =	vld [tilespmem:s18+$0xFFFFFFE0];
	s16 =	sor.u32 $0x4000, s14  }
0x32: {  	s31 =	sshrl.u32 s15, $0x2;
	s15 =	sadd.s32 $0x0, s16  }
0x33: {  	s17 =	simm.s32 $0x4;
	s18 =	sadd.s32 $0x40, s18;
	s14 =	sor.u32 $0x4000, s31;
	[tilespmem:s15+$0x1830 ss:$0x81] =	vst.msk $0xffff, v3  }
.LBB1_3:
0x34: {  	v3 =	vld [tilespmem:s18+$0x10];
	p1 =	sne.s32 s17, $0x1FC;
	[tilespmem:s15+$0x810 ss:$0x81] =	vst.msk $0xffff, v2;
	s19 =	smov.u32 s17;
	s17 =	sadd.s32 $0x4, s17  }
.Ltmp3:
0x35: {  	v2 =	vld [tilespmem:s18+$0xFFFFFFF0];
	[tilespmem:s15+$0x1020 ss:$0x81] =	vst.msk $0xffff, v0;
	(pc) =	sbr.rel @p1 .LBB1_3-.Ltmp3, $4  }
0x36: {  	v0 =	vld [tilespmem:s18+$0x0];
	[tilespmem:s15+$0x0 ss:$0x81] =	vst.msk $0xffff, v1  }
0x37: {  	s15 =	sshra.s32 s19, $0x2;
	v1 =	vld [tilespmem:s18+$0xFFFFFFE0]  }
0x38: {  	s15 =	sadd.s32 s15, s16  }
0x39: {  	s18 =	sadd.s32 $0x40, s18;
	[tilespmem:s15+$0x1830 ss:$0x81] =	vst.msk $0xffff, v3  }
.Ltmp4:
0x3a: {  	_ = 	snop;
	(pc) =	sbr.rel .LBB1_4-.Ltmp4, $1  }
0x3b: {  	_ =	sdelay $0x3  }
.LBB1_6:
0x3c: {  	_ =	sfence.sel $0x180000  }
0x3d: {  	s2 =	simm.s32 $0x1;
	[bflag:$0x0] =	sbarrier.arrive $0xFFFF  }
0x3e: {  	s31 =	simm.s32 $0x2;
	[sflag:s2] =	ssyncpa.u1 $0x1  }
0x3f: {  	[sflag:s31] =	ssyncpa.u1 $0x1  }
0x40: {  	p0 =	sne.s32 s0, $0x0;
	_ =	strace $0x9000004A  }
0x41: {  	s0 =	sadd.s32 @!p0 $0x100000, s1;
	[bflag:$0x2] =	sbarrier.arrive $0xFFFF  }
0x42: {  	[sflag:s0] =	ssyncadd.tile.s32 @!p0 $0x1;
	_ =	shalt  }
.Lfunc_end1:
_tile_overlayer_lowered:
.L_overlay_start_2:
0x43: {  	(tag) =	ssettag $0x2  }
0x44: {  	s0 =	rddreg [dreg:$0x0];
	s2 =	stileid.u32  }
0x45: {  	s1 =	rddreg [dreg:$0x1];
	p0 =	sne.s32 s2, $0x0  }
0x46: {  	s3 =	rddreg [dreg:$0x2];
	[bflag:$0x3] =	sbarrier.arrive $0xFFFF;
	s2 =	simm.s32 @!p0 $0x1C01  }
0x47: {  	[timem:s3], [sflag:s2] =	dma.local @!p0 [hbm:s0], s1  }
0x48: {  	s0 =	simm.s32 @!p0 $0x1  }
0x49: {  	_ =	swait.ge @!p0 [sflag:s0], s1  }
0x4a: {  	s1 =	ssub.s32 @!p0 $0x0, s1;
	[sflag:s0] =	ssyncset.done @!p0 $0x0  }
0x4b: {  	[sflag:s0] =	ssyncadd.s32 @!p0 s1  }
0x4c: {  	[bflag:$0x3] =	sbarrier.arrive $0xFFFF  }
0x4d: {  	_ =	shalt  }

</sc_bundles>
